<compile_context>
chip_gen: v7x
topology: tpu7x:2x2x1
jax: 0.10.2.dev20260603
libtpu: 0.0.44.dev20260713+nightly
codegen_flags: <defaults>
</compile_context>

<pallas_src>
import functools

import numpy as np
import jax
import jax.numpy as jnp
from jax import lax
from jax.experimental import pallas as pl
from jax.experimental.pallas import tpu as pltpu
from jax.experimental.pallas import tpu_sc as plsc

SUBSAMPLE_SIZE = 1024
GROUP_LIMIT = 64
N_POINTS = 16384

_LANES = 16
_NW = 32
_S_PER = SUBSAMPLE_SIZE // _NW
_CAND = 512
_T04 = float(np.float32(0.040000003))


def _fps_body(x_ref, y_ref, z_ref, cx_ref, cy_ref, cz_ref):
    x = x_ref[...]
    y = y_ref[...]
    z = z_ref[...]
    ri = lax.broadcasted_iota(jnp.int32, (128, 128), 0)
    ci = lax.broadcasted_iota(jnp.int32, (128, 128), 1)
    flat = ri * 128 + ci

    def extract(a, idx):
        return jnp.sum(jnp.where(flat == idx, a, 0.0))

    lx0 = extract(x, 0)
    ly0 = extract(y, 0)
    lz0 = extract(z, 0)
    cx_ref[0] = lx0
    cy_ref[0] = ly0
    cz_ref[0] = lz0
    dmin0 = jnp.full((128, 128), jnp.inf, dtype=jnp.float32)

    def body(i, carry):
        dmin, lx, ly, lz = carry
        dx = x - lx
        dy = y - ly
        dz = z - lz
        d = dx * dx + dy * dy + dz * dz
        dmin = jnp.minimum(dmin, d)
        m = jnp.max(dmin)
        idx = jnp.min(jnp.where(dmin == m, flat, jnp.int32(1 << 30)))
        nlx = extract(x, idx)
        nly = extract(y, idx)
        nlz = extract(z, idx)
        cx_ref[i] = nlx
        cy_ref[i] = nly
        cz_ref[i] = nlz
        return dmin, nlx, nly, nlz

    lax.fori_loop(1, SUBSAMPLE_SIZE, body, (dmin0, lx0, ly0, lz0))


def _fps_pallas(vertices):
    xp = vertices[:, 0].reshape(128, 128)
    yp = vertices[:, 1].reshape(128, 128)
    zp = vertices[:, 2].reshape(128, 128)
    s = jax.ShapeDtypeStruct((SUBSAMPLE_SIZE,), jnp.float32)
    return pl.pallas_call(
        _fps_body,
        out_specs=[pl.BlockSpec(memory_space=pltpu.SMEM)] * 3,
        out_shape=[s, s, s],
    )(xp, yp, zp)


def _bq_body(xs_h, ys_h, zs_h, bxs_h, bys_h, bzs_h, sqv_h,
             bcx_h, bcy_h, bcz_h, sqc_h,
             gx_h, gy_h, gz_h, cnt_h,
             xs_v, ys_v, zs_v, bxs_v, bys_v, bzs_v, sqv_v,
             bcxv, bcyv, bczv, sqcv,
             cid_v, ca2_v, cgx_v, cgy_v, cgz_v,
             ogx_v, ogy_v, ogz_v, ocnt_v):
    i32 = jnp.int32
    f32 = jnp.float32
    wid = lax.axis_index("s") * 2 + lax.axis_index("c")
    row0 = wid * _S_PER
    pltpu.sync_copy(xs_h, xs_v)
    pltpu.sync_copy(ys_h, ys_v)
    pltpu.sync_copy(zs_h, zs_v)
    pltpu.sync_copy(bxs_h, bxs_v)
    pltpu.sync_copy(bys_h, bys_v)
    pltpu.sync_copy(bzs_h, bzs_v)
    pltpu.sync_copy(sqv_h, sqv_v)
    pltpu.sync_copy(bcx_h.at[pl.ds(row0 * _LANES, _S_PER * _LANES)], bcxv)
    pltpu.sync_copy(bcy_h.at[pl.ds(row0 * _LANES, _S_PER * _LANES)], bcyv)
    pltpu.sync_copy(bcz_h.at[pl.ds(row0 * _LANES, _S_PER * _LANES)], bczv)
    pltpu.sync_copy(sqc_h.at[pl.ds(row0 * _LANES, _S_PER * _LANES)], sqcv)

    lane = lax.broadcasted_iota(i32, (_LANES,), 0)
    zero16i = jnp.zeros((_LANES,), i32)
    one16i = jnp.ones((_LANES,), i32)
    t04 = jnp.full((_LANES,), _T04, f32)
    inf16 = jnp.full((_LANES,), jnp.inf, f32)

    def per_centroid(j, _):
        cxs = bcxv[pl.ds(j * _LANES, _LANES)]
        cys = bcyv[pl.ds(j * _LANES, _LANES)]
        czs = bczv[pl.ds(j * _LANES, _LANES)]
        sqcs = sqcv[pl.ds(j * _LANES, _LANES)]

        @plsc.parallel_loop(0, N_POINTS // _LANES, unroll=4, carry=zero16i)
        def cnt_v(i, cnt_v):
            base = i * _LANES
            xv = bxs_v[pl.ds(base, _LANES)]
            yv = bys_v[pl.ds(base, _LANES)]
            zv = bzs_v[pl.ds(base, _LANES)]
            sv = sqv_v[pl.ds(base, _LANES)]
            dot = xv * cxs + yv * cys + zv * czs
            a2 = jnp.abs(sqcs - 2.0 * dot + sv)
            m = a2 <= t04
            cum = plsc.cumsum(jnp.where(m, one16i, zero16i))
            slot = cnt_v + cum - 1
            m2 = jnp.logical_and(m, slot < _CAND)
            plsc.store_scatter(cid_v, [slot], lane + base, mask=m2)
            return cnt_v + plsc.all_reduce_population_count(m2)
        c = jnp.max(cnt_v)
        cbase = j * GROUP_LIMIT
        zf = jnp.zeros((_LANES,), f32)
        for k in range(GROUP_LIMIT // _LANES):
            ogx_v[pl.ds(cbase + k * _LANES, _LANES)] = zf
            ogy_v[pl.ds(cbase + k * _LANES, _LANES)] = zf
            ogz_v[pl.ds(cbase + k * _LANES, _LANES)] = zf
        nch = (c + _LANES - 1) // _LANES

        def gath(i, _):
            valid = (i * _LANES + lane) < cnt_v
            idxv = cid_v[pl.ds(i * _LANES, _LANES)]
            idxc = jnp.where(valid, idxv, zero16i)
            bxv = plsc.load_gather(bxs_v, [idxc])
            byv = plsc.load_gather(bys_v, [idxc])
            bzv = plsc.load_gather(bzs_v, [idxc])
            sv = plsc.load_gather(sqv_v, [idxc])
            dot = bxv * cxs + byv * cys + bzv * czs
            a2 = jnp.abs(sqcs - 2.0 * dot + sv)
            ca2_v[pl.ds(i * _LANES, _LANES)] = jnp.where(valid, a2, inf16)
            cgx_v[pl.ds(i * _LANES, _LANES)] = plsc.load_gather(xs_v, [idxc])
            cgy_v[pl.ds(i * _LANES, _LANES)] = plsc.load_gather(ys_v, [idxc])
            cgz_v[pl.ds(i * _LANES, _LANES)] = plsc.load_gather(zs_v, [idxc])
            return 0

        lax.fori_loop(0, nch, gath, 0)

        def bsearch():
            def bs(_, lohi):
                lo, hi = lohi
                mid = 0.5 * (lo + hi)

                def cntit(i, acc):
                    a2v = ca2_v[pl.ds(i * _LANES, _LANES)]
                    return acc + plsc.all_reduce_population_count(a2v <= mid)

                cv = lax.fori_loop(0, nch, cntit, zero16i)
                ge = cv >= GROUP_LIMIT
                return jnp.where(ge, lo, mid), jnp.where(ge, mid, hi)

            lo0 = jnp.zeros((_LANES,), f32)
            return lax.fori_loop(0, 40, bs, (lo0, t04))[1]

        t = lax.cond(c > GROUP_LIMIT, bsearch, lambda: t04)

        def sel(i, taken):
            valid = (i * _LANES + lane) < cnt_v
            a2v = ca2_v[pl.ds(i * _LANES, _LANES)]
            m = jnp.logical_and(a2v <= t, valid)
            cum = plsc.cumsum(jnp.where(m, one16i, zero16i))
            slot = taken + cum - 1
            m2 = jnp.logical_and(m, slot < GROUP_LIMIT)
            gxv = cgx_v[pl.ds(i * _LANES, _LANES)]
            gyv = cgy_v[pl.ds(i * _LANES, _LANES)]
            gzv = cgz_v[pl.ds(i * _LANES, _LANES)]
            plsc.store_scatter(ogx_v, [cbase + slot], gxv, mask=m2)
            plsc.store_scatter(ogy_v, [cbase + slot], gyv, mask=m2)
            plsc.store_scatter(ogz_v, [cbase + slot], gzv, mask=m2)
            return taken + plsc.all_reduce_population_count(m2)

        lax.fori_loop(0, nch, sel, zero16i)
        ocnt_v[pl.ds(j * _LANES, _LANES)] = jnp.minimum(cnt_v, GROUP_LIMIT)
        return 0

    lax.fori_loop(0, _S_PER, per_centroid, 0)
    pltpu.sync_copy(ogx_v, gx_h.at[pl.ds(row0 * GROUP_LIMIT, _S_PER * GROUP_LIMIT)])
    pltpu.sync_copy(ogy_v, gy_h.at[pl.ds(row0 * GROUP_LIMIT, _S_PER * GROUP_LIMIT)])
    pltpu.sync_copy(ogz_v, gz_h.at[pl.ds(row0 * GROUP_LIMIT, _S_PER * GROUP_LIMIT)])
    pltpu.sync_copy(ocnt_v, cnt_h.at[pl.ds(row0 * _LANES, _S_PER * _LANES)])


def _ballquery_sc(xs, ys, zs, bxs, bys, bzs, sqv, bcx, bcy, bcz, sqc):
    f32 = jnp.float32
    mesh = plsc.VectorSubcoreMesh(core_axis_name="c", subcore_axis_name="s")
    sg = jax.ShapeDtypeStruct((SUBSAMPLE_SIZE * GROUP_LIMIT,), f32)
    kern = pl.kernel(
        _bq_body,
        out_type=[sg, sg, sg,
                  jax.ShapeDtypeStruct((SUBSAMPLE_SIZE * _LANES,), jnp.int32)],
        mesh=mesh,
        compiler_params=pltpu.CompilerParams(needs_layout_passes=False),
        scratch_types=[
            pltpu.VMEM((N_POINTS,), f32),
            pltpu.VMEM((N_POINTS,), f32),
            pltpu.VMEM((N_POINTS,), f32),
            pltpu.VMEM((N_POINTS,), f32),
            pltpu.VMEM((N_POINTS,), f32),
            pltpu.VMEM((N_POINTS,), f32),
            pltpu.VMEM((N_POINTS,), f32),
            pltpu.VMEM((_S_PER * _LANES,), f32),
            pltpu.VMEM((_S_PER * _LANES,), f32),
            pltpu.VMEM((_S_PER * _LANES,), f32),
            pltpu.VMEM((_S_PER * _LANES,), f32),
            pltpu.VMEM((_CAND,), jnp.int32),
            pltpu.VMEM((_CAND,), f32),
            pltpu.VMEM((_CAND,), f32),
            pltpu.VMEM((_CAND,), f32),
            pltpu.VMEM((_CAND,), f32),
            pltpu.VMEM((_S_PER * GROUP_LIMIT,), f32),
            pltpu.VMEM((_S_PER * GROUP_LIMIT,), f32),
            pltpu.VMEM((_S_PER * GROUP_LIMIT,), f32),
            pltpu.VMEM((_S_PER * _LANES,), jnp.int32),
        ],
    )
    return kern(xs, ys, zs, bxs, bys, bzs, sqv, bcx, bcy, bcz, sqc)


def _mlp_kernel(feat_ref, mask_ref, w1_ref, b1_ref, w2_ref, b2_ref, w3_ref, b3_ref, out_ref):
    feat = feat_ref[...]
    h = jnp.maximum(feat @ w1_ref[...] + b1_ref[...], 0.0)
    h = jnp.maximum(h @ w2_ref[...] + b2_ref[...], 0.0)
    h = h @ w3_ref[...] + b3_ref[...]
    h = jnp.where(mask_ref[...] > 0, h, -1e9)
    BSK = h.shape[0]
    out_ref[...] = jnp.max(h.reshape(BSK // GROUP_LIMIT, GROUP_LIMIT, 128), axis=1)


def _mlp_pallas(feat8, mask_i, W1p, b1, W2, b2, W3, b3):
    S = SUBSAMPLE_SIZE
    BS = 128
    return pl.pallas_call(
        _mlp_kernel,
        grid=(S // BS,),
        in_specs=[
            pl.BlockSpec((BS * GROUP_LIMIT, 8), lambda i: (i, 0)),
            pl.BlockSpec((BS * GROUP_LIMIT, 1), lambda i: (i, 0)),
            pl.BlockSpec((8, 64), lambda i: (0, 0)),
            pl.BlockSpec((64,), lambda i: (0,)),
            pl.BlockSpec((64, 64), lambda i: (0, 0)),
            pl.BlockSpec((64,), lambda i: (0,)),
            pl.BlockSpec((64, 128), lambda i: (0, 0)),
            pl.BlockSpec((128,), lambda i: (0,)),
        ],
        out_specs=pl.BlockSpec((BS, 128), lambda i: (i, 0)),
        out_shape=jax.ShapeDtypeStruct((S, 128), jnp.float32),
    )(feat8, mask_i, W1p, b1, W2, b2, W3, b3)


def kernel(vertices, W1, b1, W2, b2, W3, b3):
    S = SUBSAMPLE_SIZE
    K = GROUP_LIMIT
    cx, cy, cz = _fps_pallas(vertices)

    xs = vertices[:, 0]
    ys = vertices[:, 1]
    zs = vertices[:, 2]
    def bf16_round(a):
        return lax.reduce_precision(a, exponent_bits=8, mantissa_bits=7)

    bxs = bf16_round(xs)
    bys = bf16_round(ys)
    bzs = bf16_round(zs)
    sqv = jnp.sum(vertices * vertices, axis=-1)
    sqc = cx * cx + cy * cy + cz * cz

    def splat(a):
        return jnp.broadcast_to(a[:, None], (S, _LANES)).reshape(-1)

    bcx = splat(bf16_round(cx))
    bcy = splat(bf16_round(cy))
    bcz = splat(bf16_round(cz))
    gx, gy, gz, cnt16 = _ballquery_sc(
        xs, ys, zs, bxs, bys, bzs, sqv, bcx, bcy, bcz, splat(sqc))
    gx = gx.reshape(S, K)
    gy = gy.reshape(S, K)
    gz = gz.reshape(S, K)
    cnt = cnt16.reshape(S, _LANES)[:, 0]

    feat8 = jnp.stack(
        [gx, gy, gz, gx - cx[:, None], gy - cy[:, None], gz - cz[:, None],
         jnp.zeros((S, K), jnp.float32), jnp.zeros((S, K), jnp.float32)],
        axis=-1,
    ).reshape(S * K, 8)
    kidx = jnp.arange(K, dtype=jnp.int32)[None, :]
    mask_i = (kidx < cnt[:, None]).astype(jnp.int32).reshape(S * K, 1)
    W1p = jnp.concatenate([W1, jnp.zeros((2, 64), jnp.float32)], axis=0)
    return _mlp_pallas(feat8, mask_i, W1p, b1, W2, b2, W3, b3)

# --- scband reference (transcript-rebuilt; emitter-appended) ---
"""Pipeline reference for scband-set-abstraction-63857573756989 (READ-ONLY COPY).

The authoritative reference and input builder live on the scoring server;
editing this copy changes nothing except your own understanding.
"""

import jax, jax.numpy as jnp
import numpy as np

SUBSAMPLE_SIZE = 1024
GROUP_RADIUS = 0.2
GROUP_LIMIT = 64  # constructor arg; module uses index group_limit-1 into sorted dists
N_POINTS = 16384


def _glorot(key, shape):
    fan_in, fan_out = shape[0], shape[1]
    lim = (6.0 / (fan_in + fan_out)) ** 0.5
    return jax.random.uniform(key, shape, minval=-lim, maxval=lim, dtype=jnp.float32)


def setup_inputs(seed: int = 0) -> dict:
    key = jax.random.key(seed)
    ks = jax.random.split(key, 7)
    vertices = jax.random.normal(ks[0], (N_POINTS, 3), dtype=jnp.float32)
    W1 = _glorot(ks[1], (6, 64)); b1 = jnp.zeros((64,), jnp.float32)
    W2 = _glorot(ks[2], (64, 64)); b2 = jnp.zeros((64,), jnp.float32)
    W3 = _glorot(ks[3], (64, 128)); b3 = jnp.zeros((128,), jnp.float32)
    return {"vertices": vertices, "W1": W1, "b1": b1, "W2": W2, "b2": b2, "W3": W3, "b3": b3}


def _fps(points, n_samples):
    # farthest point sampling, deterministic start at index 0
    n = points.shape[0]
    idxs = jnp.zeros((n_samples,), dtype=jnp.int32)
    dists = jnp.full((n,), jnp.inf, dtype=jnp.float32)
    def body(i, state):
        idxs, dists = state
        last = points[idxs[i - 1]]
        d = jnp.sum((points - last[None, :]) ** 2, axis=-1)
        dists = jnp.minimum(dists, d)
        nxt = jnp.argmax(dists).astype(jnp.int32)
        return idxs.at[i].set(nxt), dists
    idxs, _ = jax.lax.fori_loop(1, n_samples, body, (idxs, dists))
    return idxs


def reference(vertices, W1, b1, W2, b2, W3, b3):
    # 1) FPS centroid selection (replaces fpsample.fps_sampling)
    cent_idx = _fps(jax.lax.stop_gradient(vertices), SUBSAMPLE_SIZE)
    centroids = jnp.take(vertices, cent_idx, axis=0)            # [S, 3]
    # 2) group_around_centroids: pairwise dists centroids -> all vertices
    sq_v = jnp.sum(vertices * vertices, axis=-1)
    sq_c = jnp.sum(centroids * centroids, axis=-1)
    d2 = sq_c[:, None] - 2.0 * (centroids @ vertices.T) + sq_v[None, :]
    dist = jax.lax.stop_gradient(jnp.sqrt(jnp.abs(d2)))         # [S, N]
    # kth-nearest (group_limit-1 index after sort) == top-GROUP_LIMIT smallest
    neg_d, nn_idx = jax.lax.top_k(-dist, GROUP_LIMIT)           # [S, K]
    nn_dist = -neg_d
    kth = nn_dist[:, GROUP_LIMIT - 1]
    limit = jnp.minimum(kth, GROUP_RADIUS)
    mask = nn_dist <= limit[:, None]                            # ball-query mask [S, K]
    # 3) PointNetConv with edges neighbor->centroid:
    #    message = local_nn(concat([x_j, pos_j - pos_i])), aggr = max at centroid
    grouped = jnp.take(vertices, nn_idx, axis=0)                # gather [S, K, 3]
    rel = grouped - centroids[:, None, :]
    feat = jnp.concatenate([grouped, rel], axis=-1)             # [S, K, 6]
    h = jax.nn.relu(feat @ W1 + b1)
    h = jax.nn.relu(h @ W2 + b2)
    h = h @ W3 + b3                                             # [S, K, 128]
    h = jnp.where(mask[:, :, None], h, -1e9)
    out = jnp.max(h, axis=1)                                    # [S, 128] centroid embeddings
    return out

if __name__ == "__main__":
    import jax
    _d = setup_inputs()
    print(jax.jit(kernel)(*tuple(_d.values())))

</pallas_src>

<mosaic_0001>
#map = affine_map<(d0, d1) -> (0)>
module attributes {stable_mosaic.version = 14 : i64} {
  func.func @_bq_body(%arg0: i32, %arg1: i32, %arg2: memref<16384xf32, #tpu.memory_space<hbm>>, %arg3: memref<16384xf32, #tpu.memory_space<hbm>>, %arg4: memref<16384xf32, #tpu.memory_space<hbm>>, %arg5: memref<16384xf32, #tpu.memory_space<hbm>>, %arg6: memref<16384xf32, #tpu.memory_space<hbm>>, %arg7: memref<16384xf32, #tpu.memory_space<hbm>>, %arg8: memref<16384xf32, #tpu.memory_space<hbm>>, %arg9: memref<16384xf32, #tpu.memory_space<hbm>>, %arg10: memref<16384xf32, #tpu.memory_space<hbm>>, %arg11: memref<16384xf32, #tpu.memory_space<hbm>>, %arg12: memref<16384xf32, #tpu.memory_space<hbm>>, %arg13: memref<65536xf32, #tpu.memory_space<hbm>>, %arg14: memref<65536xf32, #tpu.memory_space<hbm>>, %arg15: memref<65536xf32, #tpu.memory_space<hbm>>, %arg16: memref<16384xi32, #tpu.memory_space<hbm>>, %arg17: memref<16384xf32, #tpu.memory_space<vmem>>, %arg18: memref<16384xf32, #tpu.memory_space<vmem>>, %arg19: memref<16384xf32, #tpu.memory_space<vmem>>, %arg20: memref<16384xf32, #tpu.memory_space<vmem>>, %arg21: memref<16384xf32, #tpu.memory_space<vmem>>, %arg22: memref<16384xf32, #tpu.memory_space<vmem>>, %arg23: memref<16384xf32, #tpu.memory_space<vmem>>, %arg24: memref<512xf32, #tpu.memory_space<vmem>>, %arg25: memref<512xf32, #tpu.memory_space<vmem>>, %arg26: memref<512xf32, #tpu.memory_space<vmem>>, %arg27: memref<512xf32, #tpu.memory_space<vmem>>, %arg28: memref<512xi32, #tpu.memory_space<vmem>>, %arg29: memref<512xf32, #tpu.memory_space<vmem>>, %arg30: memref<512xf32, #tpu.memory_space<vmem>>, %arg31: memref<512xf32, #tpu.memory_space<vmem>>, %arg32: memref<512xf32, #tpu.memory_space<vmem>>, %arg33: memref<2048xf32, #tpu.memory_space<vmem>>, %arg34: memref<2048xf32, #tpu.memory_space<vmem>>, %arg35: memref<2048xf32, #tpu.memory_space<vmem>>, %arg36: memref<512xi32, #tpu.memory_space<vmem>>) attributes {dimension_semantics = [#tpu.dimension_semantics<core_parallel>, #tpu.dimension_semantics<subcore_parallel>], iteration_bounds = array<i64: 2, 16>, scalar_prefetch = 0 : i64, scratch_operands = 20 : i64, tpu.core_type = #tpu.core_type<sc_vector_subcore>, window_params = [{transform_indices = #map}, {transform_indices = #map}, {transform_indices = #map}, {transform_indices = #map}, {transform_indices = #map}, {transform_indices = #map}, {transform_indices = #map}, {transform_indices = #map}, {transform_indices = #map}, {transform_indices = #map}, {transform_indices = #map}, {transform_indices = #map}, {transform_indices = #map}, {transform_indices = #map}, {transform_indices = #map}]} {
    %mul3A = arith.constant 2 : i32
    %mul3A_0 = arith.muli %arg1, %mul3A : i32
    %add3A = arith.addi %mul3A_0, %arg0 : i32
    %mul3A_1 = arith.constant 32 : i32
    %mul3A_2 = arith.muli %add3A, %mul3A_1 : i32
    "tpu.region"() ({
      %run_scoped3A = tpu.sem_alloc : memref<!tpu.dma_semaphore, #tpu.memory_space<semaphore_mem>>
      tpu.enqueue_dma source(%arg2 : memref<16384xf32, #tpu.memory_space<hbm>>) target(%arg17 : memref<16384xf32, #tpu.memory_space<vmem>>) target_semaphore(%run_scoped3A : memref<!tpu.dma_semaphore, #tpu.memory_space<semaphore_mem>>)
      tpu.wait_dma2 semaphore(%run_scoped3A : memref<!tpu.dma_semaphore, #tpu.memory_space<semaphore_mem>>) src(%arg2 : memref<16384xf32, #tpu.memory_space<hbm>>) dst(%arg17 : memref<16384xf32, #tpu.memory_space<vmem>>)
      tpu.yield
    }) : () -> ()
    "tpu.region"() ({
      %run_scoped3A = tpu.sem_alloc : memref<!tpu.dma_semaphore, #tpu.memory_space<semaphore_mem>>
      tpu.enqueue_dma source(%arg3 : memref<16384xf32, #tpu.memory_space<hbm>>) target(%arg18 : memref<16384xf32, #tpu.memory_space<vmem>>) target_semaphore(%run_scoped3A : memref<!tpu.dma_semaphore, #tpu.memory_space<semaphore_mem>>)
      tpu.wait_dma2 semaphore(%run_scoped3A : memref<!tpu.dma_semaphore, #tpu.memory_space<semaphore_mem>>) src(%arg3 : memref<16384xf32, #tpu.memory_space<hbm>>) dst(%arg18 : memref<16384xf32, #tpu.memory_space<vmem>>)
      tpu.yield
    }) : () -> ()
    "tpu.region"() ({
      %run_scoped3A = tpu.sem_alloc : memref<!tpu.dma_semaphore, #tpu.memory_space<semaphore_mem>>
      tpu.enqueue_dma source(%arg4 : memref<16384xf32, #tpu.memory_space<hbm>>) target(%arg19 : memref<16384xf32, #tpu.memory_space<vmem>>) target_semaphore(%run_scoped3A : memref<!tpu.dma_semaphore, #tpu.memory_space<semaphore_mem>>)
      tpu.wait_dma2 semaphore(%run_scoped3A : memref<!tpu.dma_semaphore, #tpu.memory_space<semaphore_mem>>) src(%arg4 : memref<16384xf32, #tpu.memory_space<hbm>>) dst(%arg19 : memref<16384xf32, #tpu.memory_space<vmem>>)
      tpu.yield
    }) : () -> ()
    "tpu.region"() ({
      %run_scoped3A = tpu.sem_alloc : memref<!tpu.dma_semaphore, #tpu.memory_space<semaphore_mem>>
      tpu.enqueue_dma source(%arg5 : memref<16384xf32, #tpu.memory_space<hbm>>) target(%arg20 : memref<16384xf32, #tpu.memory_space<vmem>>) target_semaphore(%run_scoped3A : memref<!tpu.dma_semaphore, #tpu.memory_space<semaphore_mem>>)
      tpu.wait_dma2 semaphore(%run_scoped3A : memref<!tpu.dma_semaphore, #tpu.memory_space<semaphore_mem>>) src(%arg5 : memref<16384xf32, #tpu.memory_space<hbm>>) dst(%arg20 : memref<16384xf32, #tpu.memory_space<vmem>>)
      tpu.yield
    }) : () -> ()
    "tpu.region"() ({
      %run_scoped3A = tpu.sem_alloc : memref<!tpu.dma_semaphore, #tpu.memory_space<semaphore_mem>>
      tpu.enqueue_dma source(%arg6 : memref<16384xf32, #tpu.memory_space<hbm>>) target(%arg21 : memref<16384xf32, #tpu.memory_space<vmem>>) target_semaphore(%run_scoped3A : memref<!tpu.dma_semaphore, #tpu.memory_space<semaphore_mem>>)
      tpu.wait_dma2 semaphore(%run_scoped3A : memref<!tpu.dma_semaphore, #tpu.memory_space<semaphore_mem>>) src(%arg6 : memref<16384xf32, #tpu.memory_space<hbm>>) dst(%arg21 : memref<16384xf32, #tpu.memory_space<vmem>>)
      tpu.yield
    }) : () -> ()
    "tpu.region"() ({
      %run_scoped3A = tpu.sem_alloc : memref<!tpu.dma_semaphore, #tpu.memory_space<semaphore_mem>>
      tpu.enqueue_dma source(%arg7 : memref<16384xf32, #tpu.memory_space<hbm>>) target(%arg22 : memref<16384xf32, #tpu.memory_space<vmem>>) target_semaphore(%run_scoped3A : memref<!tpu.dma_semaphore, #tpu.memory_space<semaphore_mem>>)
      tpu.wait_dma2 semaphore(%run_scoped3A : memref<!tpu.dma_semaphore, #tpu.memory_space<semaphore_mem>>) src(%arg7 : memref<16384xf32, #tpu.memory_space<hbm>>) dst(%arg22 : memref<16384xf32, #tpu.memory_space<vmem>>)
      tpu.yield
    }) : () -> ()
    "tpu.region"() ({
      %run_scoped3A = tpu.sem_alloc : memref<!tpu.dma_semaphore, #tpu.memory_space<semaphore_mem>>
      tpu.enqueue_dma source(%arg8 : memref<16384xf32, #tpu.memory_space<hbm>>) target(%arg23 : memref<16384xf32, #tpu.memory_space<vmem>>) target_semaphore(%run_scoped3A : memref<!tpu.dma_semaphore, #tpu.memory_space<semaphore_mem>>)
      tpu.wait_dma2 semaphore(%run_scoped3A : memref<!tpu.dma_semaphore, #tpu.memory_space<semaphore_mem>>) src(%arg8 : memref<16384xf32, #tpu.memory_space<hbm>>) dst(%arg23 : memref<16384xf32, #tpu.memory_space<vmem>>)
      tpu.yield
    }) : () -> ()
    %mul3A_3 = arith.constant 16 : i32
    %mul3A_4 = arith.muli %mul3A_2, %mul3A_3 : i32
    "tpu.region"() ({
      %run_scoped3A = tpu.sem_alloc : memref<!tpu.dma_semaphore, #tpu.memory_space<semaphore_mem>>
      %dma_start3A = tpu.memref_slice %arg9[%mul3A_4] : memref<16384xf32, #tpu.memory_space<hbm>> -> memref<512xf32, #tpu.memory_space<hbm>>
      %dma_start3A_32 = tpu.memref_slice %arg9[%mul3A_4] : memref<16384xf32, #tpu.memory_space<hbm>> -> memref<512xf32, #tpu.memory_space<hbm>>
      tpu.enqueue_dma source(%dma_start3A_32 : memref<512xf32, #tpu.memory_space<hbm>>) target(%arg24 : memref<512xf32, #tpu.memory_space<vmem>>) target_semaphore(%run_scoped3A : memref<!tpu.dma_semaphore, #tpu.memory_space<semaphore_mem>>)
      %dma_wait3A = tpu.memref_slice %arg9[%mul3A_4] : memref<16384xf32, #tpu.memory_space<hbm>> -> memref<512xf32, #tpu.memory_space<hbm>>
      %dma_wait3A_33 = tpu.memref_slice %arg9[%mul3A_4] : memref<16384xf32, #tpu.memory_space<hbm>> -> memref<512xf32, #tpu.memory_space<hbm>>
      tpu.wait_dma2 semaphore(%run_scoped3A : memref<!tpu.dma_semaphore, #tpu.memory_space<semaphore_mem>>) src(%dma_wait3A_33 : memref<512xf32, #tpu.memory_space<hbm>>) dst(%arg24 : memref<512xf32, #tpu.memory_space<vmem>>)
      tpu.yield
    }) : () -> ()
    %mul3A_5 = arith.constant 16 : i32
    %mul3A_6 = arith.muli %mul3A_2, %mul3A_5 : i32
    "tpu.region"() ({
      %run_scoped3A = tpu.sem_alloc : memref<!tpu.dma_semaphore, #tpu.memory_space<semaphore_mem>>
      %dma_start3A = tpu.memref_slice %arg10[%mul3A_6] : memref<16384xf32, #tpu.memory_space<hbm>> -> memref<512xf32, #tpu.memory_space<hbm>>
      %dma_start3A_32 = tpu.memref_slice %arg10[%mul3A_6] : memref<16384xf32, #tpu.memory_space<hbm>> -> memref<512xf32, #tpu.memory_space<hbm>>
      tpu.enqueue_dma source(%dma_start3A_32 : memref<512xf32, #tpu.memory_space<hbm>>) target(%arg25 : memref<512xf32, #tpu.memory_space<vmem>>) target_semaphore(%run_scoped3A : memref<!tpu.dma_semaphore, #tpu.memory_space<semaphore_mem>>)
      %dma_wait3A = tpu.memref_slice %arg10[%mul3A_6] : memref<16384xf32, #tpu.memory_space<hbm>> -> memref<512xf32, #tpu.memory_space<hbm>>
      %dma_wait3A_33 = tpu.memref_slice %arg10[%mul3A_6] : memref<16384xf32, #tpu.memory_space<hbm>> -> memref<512xf32, #tpu.memory_space<hbm>>
      tpu.wait_dma2 semaphore(%run_scoped3A : memref<!tpu.dma_semaphore, #tpu.memory_space<semaphore_mem>>) src(%dma_wait3A_33 : memref<512xf32, #tpu.memory_space<hbm>>) dst(%arg25 : memref<512xf32, #tpu.memory_space<vmem>>)
      tpu.yield
    }) : () -> ()
    %mul3A_7 = arith.constant 16 : i32
    %mul3A_8 = arith.muli %mul3A_2, %mul3A_7 : i32
    "tpu.region"() ({
      %run_scoped3A = tpu.sem_alloc : memref<!tpu.dma_semaphore, #tpu.memory_space<semaphore_mem>>
      %dma_start3A = tpu.memref_slice %arg11[%mul3A_8] : memref<16384xf32, #tpu.memory_space<hbm>> -> memref<512xf32, #tpu.memory_space<hbm>>
      %dma_start3A_32 = tpu.memref_slice %arg11[%mul3A_8] : memref<16384xf32, #tpu.memory_space<hbm>> -> memref<512xf32, #tpu.memory_space<hbm>>
      tpu.enqueue_dma source(%dma_start3A_32 : memref<512xf32, #tpu.memory_space<hbm>>) target(%arg26 : memref<512xf32, #tpu.memory_space<vmem>>) target_semaphore(%run_scoped3A : memref<!tpu.dma_semaphore, #tpu.memory_space<semaphore_mem>>)
      %dma_wait3A = tpu.memref_slice %arg11[%mul3A_8] : memref<16384xf32, #tpu.memory_space<hbm>> -> memref<512xf32, #tpu.memory_space<hbm>>
      %dma_wait3A_33 = tpu.memref_slice %arg11[%mul3A_8] : memref<16384xf32, #tpu.memory_space<hbm>> -> memref<512xf32, #tpu.memory_space<hbm>>
      tpu.wait_dma2 semaphore(%run_scoped3A : memref<!tpu.dma_semaphore, #tpu.memory_space<semaphore_mem>>) src(%dma_wait3A_33 : memref<512xf32, #tpu.memory_space<hbm>>) dst(%arg26 : memref<512xf32, #tpu.memory_space<vmem>>)
      tpu.yield
    }) : () -> ()
    %mul3A_9 = arith.constant 16 : i32
    %mul3A_10 = arith.muli %mul3A_2, %mul3A_9 : i32
    "tpu.region"() ({
      %run_scoped3A = tpu.sem_alloc : memref<!tpu.dma_semaphore, #tpu.memory_space<semaphore_mem>>
      %dma_start3A = tpu.memref_slice %arg12[%mul3A_10] : memref<16384xf32, #tpu.memory_space<hbm>> -> memref<512xf32, #tpu.memory_space<hbm>>
      %dma_start3A_32 = tpu.memref_slice %arg12[%mul3A_10] : memref<16384xf32, #tpu.memory_space<hbm>> -> memref<512xf32, #tpu.memory_space<hbm>>
      tpu.enqueue_dma source(%dma_start3A_32 : memref<512xf32, #tpu.memory_space<hbm>>) target(%arg27 : memref<512xf32, #tpu.memory_space<vmem>>) target_semaphore(%run_scoped3A : memref<!tpu.dma_semaphore, #tpu.memory_space<semaphore_mem>>)
      %dma_wait3A = tpu.memref_slice %arg12[%mul3A_10] : memref<16384xf32, #tpu.memory_space<hbm>> -> memref<512xf32, #tpu.memory_space<hbm>>
      %dma_wait3A_33 = tpu.memref_slice %arg12[%mul3A_10] : memref<16384xf32, #tpu.memory_space<hbm>> -> memref<512xf32, #tpu.memory_space<hbm>>
      tpu.wait_dma2 semaphore(%run_scoped3A : memref<!tpu.dma_semaphore, #tpu.memory_space<semaphore_mem>>) src(%dma_wait3A_33 : memref<512xf32, #tpu.memory_space<hbm>>) dst(%arg27 : memref<512xf32, #tpu.memory_space<vmem>>)
      tpu.yield
    }) : () -> ()
    %iota3A = tpu.iota {dimensions = array<i32: 0>} : vector<16xi32>
    %broadcast_in_dim3A = arith.constant 0 : i32
    %broadcast_in_dim3A_11 = vector.broadcast %broadcast_in_dim3A : i32 to vector<16xi32>
    %broadcast_in_dim3A_12 = arith.constant 1 : i32
    %broadcast_in_dim3A_13 = vector.broadcast %broadcast_in_dim3A_12 : i32 to vector<16xi32>
    %broadcast_in_dim3A_14 = arith.constant 0.0400000028 : f32
    %broadcast_in_dim3A_15 = vector.broadcast %broadcast_in_dim3A_14 : f32 to vector<16xf32>
    %broadcast_in_dim3A_16 = arith.constant 0x7F800000 : f32
    %broadcast_in_dim3A_17 = vector.broadcast %broadcast_in_dim3A_16 : f32 to vector<16xf32>
    %scan3A = arith.constant 0 : i32
    %scan3A_18 = arith.constant 0 : i32
    %scan3A_19 = arith.constant 32 : i32
    %scan3A_20 = arith.addi %scan3A_18, %scan3A_19 : i32
    %scan3A_21 = arith.constant 1 : i32
    %scan3A_22 = scf.for %scan3A_32 = %scan3A_18 to %scan3A_20 step %scan3A_21 iter_args(%scan3A_33 = %scan3A) -> (i32)  : i32 {
      %mul3A_34 = arith.constant 16 : i32
      %mul3A_35 = arith.muli %scan3A_32, %mul3A_34 : i32
      %get3A = arith.index_cast %mul3A_35 : i32 to index
      %get3A_36 = tpu.vector_load %arg24[%get3A] {strides = array<i32>} : memref<512xf32, #tpu.memory_space<vmem>>, vector<16xf32>,
      %mul3A_37 = arith.constant 16 : i32
      %mul3A_38 = arith.muli %scan3A_32, %mul3A_37 : i32
      %get3A_39 = arith.index_cast %mul3A_38 : i32 to index
      %get3A_40 = tpu.vector_load %arg25[%get3A_39] {strides = array<i32>} : memref<512xf32, #tpu.memory_space<vmem>>, vector<16xf32>,
      %mul3A_41 = arith.constant 16 : i32
      %mul3A_42 = arith.muli %scan3A_32, %mul3A_41 : i32
      %get3A_43 = arith.index_cast %mul3A_42 : i32 to index
      %get3A_44 = tpu.vector_load %arg26[%get3A_43] {strides = array<i32>} : memref<512xf32, #tpu.memory_space<vmem>>, vector<16xf32>,
      %mul3A_45 = arith.constant 16 : i32
      %mul3A_46 = arith.muli %scan3A_32, %mul3A_45 : i32
      %get3A_47 = arith.index_cast %mul3A_46 : i32 to index
      %get3A_48 = tpu.vector_load %arg27[%get3A_47] {strides = array<i32>} : memref<512xf32, #tpu.memory_space<vmem>>, vector<16xf32>,
      %parallel_loop3A = arith.constant 0 : i32
      %parallel_loop3A_49 = arith.constant 1024 : i32
      %parallel_loop3A_50 = arith.constant 1 : i32
      %parallel_loop3A_51 = scf.for %parallel_loop3A_162 = %parallel_loop3A to %parallel_loop3A_49 step %parallel_loop3A_50 iter_args(%parallel_loop3A_163 = %broadcast_in_dim3A_11) -> (vector<16xi32>)  : i32 {
        %parallel_loop3A_164 = arith.constant 16 : i32
        %parallel_loop3A_165 = arith.muli %parallel_loop3A_162, %parallel_loop3A_164 : i32
        %parallel_loop3A_166 = arith.index_cast %parallel_loop3A_165 : i32 to index
        %parallel_loop3A_167 = tpu.vector_load %arg20[%parallel_loop3A_166] {strides = array<i32>} : memref<16384xf32, #tpu.memory_space<vmem>>, vector<16xf32>,
        %parallel_loop3A_168 = arith.index_cast %parallel_loop3A_165 : i32 to index
        %parallel_loop3A_169 = tpu.vector_load %arg21[%parallel_loop3A_168] {strides = array<i32>} : memref<16384xf32, #tpu.memory_space<vmem>>, vector<16xf32>,
        %parallel_loop3A_170 = arith.index_cast %parallel_loop3A_165 : i32 to index
        %parallel_loop3A_171 = tpu.vector_load %arg22[%parallel_loop3A_170] {strides = array<i32>} : memref<16384xf32, #tpu.memory_space<vmem>>, vector<16xf32>,
        %parallel_loop3A_172 = arith.index_cast %parallel_loop3A_165 : i32 to index
        %parallel_loop3A_173 = tpu.vector_load %arg23[%parallel_loop3A_172] {strides = array<i32>} : memref<16384xf32, #tpu.memory_space<vmem>>, vector<16xf32>,
        %parallel_loop3A_174 = arith.mulf %parallel_loop3A_167, %get3A_36 : vector<16xf32>
        %parallel_loop3A_175 = arith.mulf %parallel_loop3A_169, %get3A_40 : vector<16xf32>
        %parallel_loop3A_176 = arith.addf %parallel_loop3A_174, %parallel_loop3A_175 : vector<16xf32>
        %parallel_loop3A_177 = arith.mulf %parallel_loop3A_171, %get3A_44 : vector<16xf32>
        %parallel_loop3A_178 = arith.addf %parallel_loop3A_176, %parallel_loop3A_177 : vector<16xf32>
        %parallel_loop3A_179 = arith.constant 2.000000e+00 : f32
        %parallel_loop3A_180 = vector.broadcast %parallel_loop3A_179 : f32 to vector<16xf32>
        %parallel_loop3A_181 = arith.mulf %parallel_loop3A_180, %parallel_loop3A_178 : vector<16xf32>
        %parallel_loop3A_182 = arith.subf %get3A_48, %parallel_loop3A_181 : vector<16xf32>
        %parallel_loop3A_183 = arith.addf %parallel_loop3A_182, %parallel_loop3A_173 : vector<16xf32>
        %parallel_loop3A_184 = math.absf %parallel_loop3A_183 : vector<16xf32>
        %parallel_loop3A_185 = arith.cmpf ole, %parallel_loop3A_184, %broadcast_in_dim3A_15 : vector<16xf32>
        %parallel_loop3A_186 = arith.select %parallel_loop3A_185, %broadcast_in_dim3A_13, %broadcast_in_dim3A_11 : vector<16xi1>, vector<16xi32>
        %parallel_loop3A_187 = arith.constant true
        %parallel_loop3A_188 = vector.broadcast %parallel_loop3A_187 : i1 to vector<16xi1>
        %parallel_loop3A_189 = tpu.scan <sum>, %parallel_loop3A_186 masked %parallel_loop3A_188 : vector<16xi32>, vector<16xi1> -> vector<16xi32>
        %parallel_loop3A_190 = arith.addi %parallel_loop3A_163, %parallel_loop3A_189 : vector<16xi32>
        %parallel_loop3A_191 = arith.constant 1 : i32
        %parallel_loop3A_192 = vector.broadcast %parallel_loop3A_191 : i32 to vector<16xi32>
        %parallel_loop3A_193 = arith.subi %parallel_loop3A_190, %parallel_loop3A_192 : vector<16xi32>
        %parallel_loop3A_194 = arith.constant 512 : i32
        %parallel_loop3A_195 = vector.broadcast %parallel_loop3A_194 : i32 to vector<16xi32>
        %parallel_loop3A_196 = arith.cmpi slt, %parallel_loop3A_193, %parallel_loop3A_195 : vector<16xi32>
        %parallel_loop3A_197 = arith.andi %parallel_loop3A_185, %parallel_loop3A_196 : vector<16xi1>
        %parallel_loop3A_198 = vector.broadcast %parallel_loop3A_165 : i32 to vector<16xi32>
        %parallel_loop3A_199 = arith.addi %iota3A, %parallel_loop3A_198 : vector<16xi32>
        tpu.vector_store_idx %arg28[%parallel_loop3A_193], %parallel_loop3A_199 masked %parallel_loop3A_197 : memref<512xi32, #tpu.memory_space<vmem>>[vector<16xi32>], vector<16xi32>, vector<16xi1>
        %parallel_loop3A_200 = tpu.all_reduce %parallel_loop3A_197 {dim = 0 : i64, kind = #tpu.reduction_kind<sum>} : vector<16xi1> -> vector<16xi32>
        %parallel_loop3A_201 = arith.addi %parallel_loop3A_163, %parallel_loop3A_200 : vector<16xi32>
        scf.yield %parallel_loop3A_201 : vector<16xi32>
      } {sc.loop_unroll_factor = 4 : i64, sc.parallel_access}
      %reduce_max3A = arith.constant true
      %reduce_max3A_52 = vector.broadcast %reduce_max3A : i1 to vector<16xi1>
      %reduce_max3A_53 = arith.constant -2147483648 : i32
      %reduce_max3A_54 = vector.broadcast %reduce_max3A_53 : i32 to vector<16xi32>
      %reduce_max3A_55 = arith.xori %parallel_loop3A_51, %reduce_max3A_54 : vector<16xi32>
      %reduce_max3A_56 = tpu.scan <max>, %reduce_max3A_55 masked %reduce_max3A_52 : vector<16xi32>, vector<16xi1> -> vector<16xi32>
      %reduce_max3A_57 = arith.xori %reduce_max3A_56, %reduce_max3A_54 : vector<16xi32>
      %reduce_max3A_58 = vector.extract %reduce_max3A_57[15] : i32 from vector<16xi32>
      %mul3A_59 = arith.constant 64 : i32
      %mul3A_60 = arith.muli %scan3A_32, %mul3A_59 : i32
      %broadcast_in_dim3A_61 = arith.constant 0.000000e+00 : f32
      %broadcast_in_dim3A_62 = vector.broadcast %broadcast_in_dim3A_61 : f32 to vector<16xf32>
      %add3A_63 = arith.constant 0 : i32
      %add3A_64 = arith.addi %mul3A_60, %add3A_63 : i32
      %swap3A = arith.index_cast %add3A_64 : i32 to index
      %swap3A_65 = tpu.vector_load %arg33[%swap3A] {strides = array<i32>} : memref<2048xf32, #tpu.memory_space<vmem>>, vector<16xf32>,
      tpu.vector_store %arg33[%swap3A], %broadcast_in_dim3A_62 {strides = array<i32>} : memref<2048xf32, #tpu.memory_space<vmem>>, vector<16xf32>,
      %add3A_66 = arith.constant 0 : i32
      %add3A_67 = arith.addi %mul3A_60, %add3A_66 : i32
      %swap3A_68 = arith.index_cast %add3A_67 : i32 to index
      %swap3A_69 = tpu.vector_load %arg34[%swap3A_68] {strides = array<i32>} : memref<2048xf32, #tpu.memory_space<vmem>>, vector<16xf32>,
      tpu.vector_store %arg34[%swap3A_68], %broadcast_in_dim3A_62 {strides = array<i32>} : memref<2048xf32, #tpu.memory_space<vmem>>, vector<16xf32>,
      %add3A_70 = arith.constant 0 : i32
      %add3A_71 = arith.addi %mul3A_60, %add3A_70 : i32
      %swap3A_72 = arith.index_cast %add3A_71 : i32 to index
      %swap3A_73 = tpu.vector_load %arg35[%swap3A_72] {strides = array<i32>} : memref<2048xf32, #tpu.memory_space<vmem>>, vector<16xf32>,
      tpu.vector_store %arg35[%swap3A_72], %broadcast_in_dim3A_62 {strides = array<i32>} : memref<2048xf32, #tpu.memory_space<vmem>>, vector<16xf32>,
      %add3A_74 = arith.constant 16 : i32
      %add3A_75 = arith.addi %mul3A_60, %add3A_74 : i32
      %swap3A_76 = arith.index_cast %add3A_75 : i32 to index
      %swap3A_77 = tpu.vector_load %arg33[%swap3A_76] {strides = array<i32>} : memref<2048xf32, #tpu.memory_space<vmem>>, vector<16xf32>,
      tpu.vector_store %arg33[%swap3A_76], %broadcast_in_dim3A_62 {strides = array<i32>} : memref<2048xf32, #tpu.memory_space<vmem>>, vector<16xf32>,
      %add3A_78 = arith.constant 16 : i32
      %add3A_79 = arith.addi %mul3A_60, %add3A_78 : i32
      %swap3A_80 = arith.index_cast %add3A_79 : i32 to index
      %swap3A_81 = tpu.vector_load %arg34[%swap3A_80] {strides = array<i32>} : memref<2048xf32, #tpu.memory_space<vmem>>, vector<16xf32>,
      tpu.vector_store %arg34[%swap3A_80], %broadcast_in_dim3A_62 {strides = array<i32>} : memref<2048xf32, #tpu.memory_space<vmem>>, vector<16xf32>,
      %add3A_82 = arith.constant 16 : i32
      %add3A_83 = arith.addi %mul3A_60, %add3A_82 : i32
      %swap3A_84 = arith.index_cast %add3A_83 : i32 to index
      %swap3A_85 = tpu.vector_load %arg35[%swap3A_84] {strides = array<i32>} : memref<2048xf32, #tpu.memory_space<vmem>>, vector<16xf32>,
      tpu.vector_store %arg35[%swap3A_84], %broadcast_in_dim3A_62 {strides = array<i32>} : memref<2048xf32, #tpu.memory_space<vmem>>, vector<16xf32>,
      %add3A_86 = arith.constant 32 : i32
      %add3A_87 = arith.addi %mul3A_60, %add3A_86 : i32
      %swap3A_88 = arith.index_cast %add3A_87 : i32 to index
      %swap3A_89 = tpu.vector_load %arg33[%swap3A_88] {strides = array<i32>} : memref<2048xf32, #tpu.memory_space<vmem>>, vector<16xf32>,
      tpu.vector_store %arg33[%swap3A_88], %broadcast_in_dim3A_62 {strides = array<i32>} : memref<2048xf32, #tpu.memory_space<vmem>>, vector<16xf32>,
      %add3A_90 = arith.constant 32 : i32
      %add3A_91 = arith.addi %mul3A_60, %add3A_90 : i32
      %swap3A_92 = arith.index_cast %add3A_91 : i32 to index
      %swap3A_93 = tpu.vector_load %arg34[%swap3A_92] {strides = array<i32>} : memref<2048xf32, #tpu.memory_space<vmem>>, vector<16xf32>,
      tpu.vector_store %arg34[%swap3A_92], %broadcast_in_dim3A_62 {strides = array<i32>} : memref<2048xf32, #tpu.memory_space<vmem>>, vector<16xf32>,
      %add3A_94 = arith.constant 32 : i32
      %add3A_95 = arith.addi %mul3A_60, %add3A_94 : i32
      %swap3A_96 = arith.index_cast %add3A_95 : i32 to index
      %swap3A_97 = tpu.vector_load %arg35[%swap3A_96] {strides = array<i32>} : memref<2048xf32, #tpu.memory_space<vmem>>, vector<16xf32>,
      tpu.vector_store %arg35[%swap3A_96], %broadcast_in_dim3A_62 {strides = array<i32>} : memref<2048xf32, #tpu.memory_space<vmem>>, vector<16xf32>,
      %add3A_98 = arith.constant 48 : i32
      %add3A_99 = arith.addi %mul3A_60, %add3A_98 : i32
      %swap3A_100 = arith.index_cast %add3A_99 : i32 to index
      %swap3A_101 = tpu.vector_load %arg33[%swap3A_100] {strides = array<i32>} : memref<2048xf32, #tpu.memory_space<vmem>>, vector<16xf32>,
      tpu.vector_store %arg33[%swap3A_100], %broadcast_in_dim3A_62 {strides = array<i32>} : memref<2048xf32, #tpu.memory_space<vmem>>, vector<16xf32>,
      %add3A_102 = arith.constant 48 : i32
      %add3A_103 = arith.addi %mul3A_60, %add3A_102 : i32
      %swap3A_104 = arith.index_cast %add3A_103 : i32 to index
      %swap3A_105 = tpu.vector_load %arg34[%swap3A_104] {strides = array<i32>} : memref<2048xf32, #tpu.memory_space<vmem>>, vector<16xf32>,
      tpu.vector_store %arg34[%swap3A_104], %broadcast_in_dim3A_62 {strides = array<i32>} : memref<2048xf32, #tpu.memory_space<vmem>>, vector<16xf32>,
      %add3A_106 = arith.constant 48 : i32
      %add3A_107 = arith.addi %mul3A_60, %add3A_106 : i32
      %swap3A_108 = arith.index_cast %add3A_107 : i32 to index
      %swap3A_109 = tpu.vector_load %arg35[%swap3A_108] {strides = array<i32>} : memref<2048xf32, #tpu.memory_space<vmem>>, vector<16xf32>,
      tpu.vector_store %arg35[%swap3A_108], %broadcast_in_dim3A_62 {strides = array<i32>} : memref<2048xf32, #tpu.memory_space<vmem>>, vector<16xf32>,
      %add3A_110 = arith.constant 16 : i32
      %add3A_111 = arith.addi %reduce_max3A_58, %add3A_110 : i32
      %sub3A = arith.constant 1 : i32
      %sub3A_112 = arith.subi %add3A_111, %sub3A : i32
      %jit3A = arith.constant 16 : i32
      %div3A = arith.divsi %sub3A_112, %jit3A : i32
      %sign3A = arith.constant 0 : i32
      %sign3A_113 = arith.cmpi sgt, %sub3A_112, %sign3A : i32
      %sign3A_114 = arith.extui %sign3A_113 : i1 to i32
      %sign3A_115 = arith.constant 0 : i32
      %sign3A_116 = arith.cmpi slt, %sub3A_112, %sign3A_115 : i32
      %sign3A_117 = arith.extui %sign3A_116 : i1 to i32
      %sign3A_118 = arith.subi %sign3A_114, %sign3A_117 : i32
      %sign3A_119 = arith.constant 0 : i32
      %sign3A_120 = arith.cmpi sgt, %jit3A, %sign3A_119 : i32
      %sign3A_121 = arith.extui %sign3A_120 : i1 to i32
      %sign3A_122 = arith.constant 0 : i32
      %sign3A_123 = arith.cmpi slt, %jit3A, %sign3A_122 : i32
      %sign3A_124 = arith.extui %sign3A_123 : i1 to i32
      %sign3A_125 = arith.subi %sign3A_121, %sign3A_124 : i32
      %ne3A = arith.cmpi ne, %sign3A_118, %sign3A_125 : i32
      %rem3A = arith.remsi %sub3A_112, %jit3A : i32
      %ne3A_126 = arith.constant 0 : i32
      %ne3A_127 = arith.cmpi ne, %rem3A, %ne3A_126 : i32
      %and3A = arith.andi %ne3A, %ne3A_127 : i1
      %sub3A_128 = arith.constant 1 : i32
      %sub3A_129 = arith.subi %div3A, %sub3A_128 : i32
      %select_n3A = arith.select %and3A, %sub3A_129, %div3A : i32
      %while3A = arith.constant 0 : i32
      %while3A_130 = arith.constant 0 : i32
      %while3A_131 = arith.subi %select_n3A, %while3A : i32
      %while3A_132 = arith.addi %while3A, %while3A_131 : i32
      %while3A_133 = arith.constant 1 : i32
      %while3A_134 = arith.divsi %while3A_131, %while3A_133 : i32
      %while3A_135 = arith.muli %while3A_134, %while3A_133 : i32
      %while3A_136 = arith.addi %while3A, %while3A_135 : i32
      %while3A_137 = arith.constant 1 : i32
      %while3A_138 = scf.for %while3A_162 = %while3A to %while3A_136 step %while3A_137 iter_args(%while3A_163 = %while3A_130) -> (i32)  : i32 {
        %mul3A_164 = arith.constant 16 : i32
        %mul3A_165 = arith.muli %while3A_162, %mul3A_164 : i32
        %add3A_166 = vector.broadcast %mul3A_165 : i32 to vector<16xi32>
        %add3A_167 = arith.addi %add3A_166, %iota3A : vector<16xi32>
        %lt3A = arith.cmpi slt, %add3A_167, %parallel_loop3A_51 : vector<16xi32>
        %mul3A_168 = arith.constant 16 : i32
        %mul3A_169 = arith.muli %while3A_162, %mul3A_168 : i32
        %get3A_170 = arith.index_cast %mul3A_169 : i32 to index
        %get3A_171 = tpu.vector_load %arg28[%get3A_170] {strides = array<i32>} : memref<512xi32, #tpu.memory_space<vmem>>, vector<16xi32>,
        %select_n3A_172 = arith.select %lt3A, %get3A_171, %broadcast_in_dim3A_11 : vector<16xi1>, vector<16xi32>
        %gather3A = tpu.vector_load_idx %arg20[%select_n3A_172] : memref<16384xf32, #tpu.memory_space<vmem>>[vector<16xi32>], vector<16xf32>,
        %gather3A_173 = tpu.vector_load_idx %arg21[%select_n3A_172] : memref<16384xf32, #tpu.memory_space<vmem>>[vector<16xi32>], vector<16xf32>,
        %gather3A_174 = tpu.vector_load_idx %arg22[%select_n3A_172] : memref<16384xf32, #tpu.memory_space<vmem>>[vector<16xi32>], vector<16xf32>,
        %gather3A_175 = tpu.vector_load_idx %arg23[%select_n3A_172] : memref<16384xf32, #tpu.memory_space<vmem>>[vector<16xi32>], vector<16xf32>,
        %mul3A_176 = arith.mulf %gather3A, %get3A_36 : vector<16xf32>
        %mul3A_177 = arith.mulf %gather3A_173, %get3A_40 : vector<16xf32>
        %add3A_178 = arith.addf %mul3A_176, %mul3A_177 : vector<16xf32>
        %mul3A_179 = arith.mulf %gather3A_174, %get3A_44 : vector<16xf32>
        %add3A_180 = arith.addf %add3A_178, %mul3A_179 : vector<16xf32>
        %mul3A_181 = arith.constant 2.000000e+00 : f32
        %mul3A_182 = vector.broadcast %mul3A_181 : f32 to vector<16xf32>
        %mul3A_183 = arith.mulf %mul3A_182, %add3A_180 : vector<16xf32>
        %sub3A_184 = arith.subf %get3A_48, %mul3A_183 : vector<16xf32>
        %add3A_185 = arith.addf %sub3A_184, %gather3A_175 : vector<16xf32>
        %abs3A = math.absf %add3A_185 : vector<16xf32>
        %select_n3A_186 = arith.select %lt3A, %abs3A, %broadcast_in_dim3A_17 : vector<16xi1>, vector<16xf32>
        %mul3A_187 = arith.constant 16 : i32
        %mul3A_188 = arith.muli %while3A_162, %mul3A_187 : i32
        %swap3A_189 = arith.index_cast %mul3A_188 : i32 to index
        %swap3A_190 = tpu.vector_load %arg29[%swap3A_189] {strides = array<i32>} : memref<512xf32, #tpu.memory_space<vmem>>, vector<16xf32>,
        tpu.vector_store %arg29[%swap3A_189], %select_n3A_186 {strides = array<i32>} : memref<512xf32, #tpu.memory_space<vmem>>, vector<16xf32>,
        %gather3A_191 = tpu.vector_load_idx %arg17[%select_n3A_172] : memref<16384xf32, #tpu.memory_space<vmem>>[vector<16xi32>], vector<16xf32>,
        %mul3A_192 = arith.constant 16 : i32
        %mul3A_193 = arith.muli %while3A_162, %mul3A_192 : i32
        %swap3A_194 = arith.index_cast %mul3A_193 : i32 to index
        %swap3A_195 = tpu.vector_load %arg30[%swap3A_194] {strides = array<i32>} : memref<512xf32, #tpu.memory_space<vmem>>, vector<16xf32>,
        tpu.vector_store %arg30[%swap3A_194], %gather3A_191 {strides = array<i32>} : memref<512xf32, #tpu.memory_space<vmem>>, vector<16xf32>,
        %gather3A_196 = tpu.vector_load_idx %arg18[%select_n3A_172] : memref<16384xf32, #tpu.memory_space<vmem>>[vector<16xi32>], vector<16xf32>,
        %mul3A_197 = arith.constant 16 : i32
        %mul3A_198 = arith.muli %while3A_162, %mul3A_197 : i32
        %swap3A_199 = arith.index_cast %mul3A_198 : i32 to index
        %swap3A_200 = tpu.vector_load %arg31[%swap3A_199] {strides = array<i32>} : memref<512xf32, #tpu.memory_space<vmem>>, vector<16xf32>,
        tpu.vector_store %arg31[%swap3A_199], %gather3A_196 {strides = array<i32>} : memref<512xf32, #tpu.memory_space<vmem>>, vector<16xf32>,
        %gather3A_201 = tpu.vector_load_idx %arg19[%select_n3A_172] : memref<16384xf32, #tpu.memory_space<vmem>>[vector<16xi32>], vector<16xf32>,
        %mul3A_202 = arith.constant 16 : i32
        %mul3A_203 = arith.muli %while3A_162, %mul3A_202 : i32
        %swap3A_204 = arith.index_cast %mul3A_203 : i32 to index
        %swap3A_205 = tpu.vector_load %arg32[%swap3A_204] {strides = array<i32>} : memref<512xf32, #tpu.memory_space<vmem>>, vector<16xf32>,
        tpu.vector_store %arg32[%swap3A_204], %gather3A_201 {strides = array<i32>} : memref<512xf32, #tpu.memory_space<vmem>>, vector<16xf32>,
        %while3A_206 = arith.constant 0 : i32
        scf.yield %while3A_206 : i32
      }
      %while3A_139 = arith.constant 1 : i32
      %while3A_140 = scf.for %while3A_162 = %while3A_136 to %while3A_132 step %while3A_139 iter_args(%while3A_163 = %while3A_138) -> (i32)  : i32 {
        %mul3A_164 = arith.constant 16 : i32
        %mul3A_165 = arith.muli %while3A_162, %mul3A_164 : i32
        %add3A_166 = vector.broadcast %mul3A_165 : i32 to vector<16xi32>
        %add3A_167 = arith.addi %add3A_166, %iota3A : vector<16xi32>
        %lt3A = arith.cmpi slt, %add3A_167, %parallel_loop3A_51 : vector<16xi32>
        %mul3A_168 = arith.constant 16 : i32
        %mul3A_169 = arith.muli %while3A_162, %mul3A_168 : i32
        %get3A_170 = arith.index_cast %mul3A_169 : i32 to index
        %get3A_171 = tpu.vector_load %arg28[%get3A_170] {strides = array<i32>} : memref<512xi32, #tpu.memory_space<vmem>>, vector<16xi32>,
        %select_n3A_172 = arith.select %lt3A, %get3A_171, %broadcast_in_dim3A_11 : vector<16xi1>, vector<16xi32>
        %gather3A = tpu.vector_load_idx %arg20[%select_n3A_172] : memref<16384xf32, #tpu.memory_space<vmem>>[vector<16xi32>], vector<16xf32>,
        %gather3A_173 = tpu.vector_load_idx %arg21[%select_n3A_172] : memref<16384xf32, #tpu.memory_space<vmem>>[vector<16xi32>], vector<16xf32>,
        %gather3A_174 = tpu.vector_load_idx %arg22[%select_n3A_172] : memref<16384xf32, #tpu.memory_space<vmem>>[vector<16xi32>], vector<16xf32>,
        %gather3A_175 = tpu.vector_load_idx %arg23[%select_n3A_172] : memref<16384xf32, #tpu.memory_space<vmem>>[vector<16xi32>], vector<16xf32>,
        %mul3A_176 = arith.mulf %gather3A, %get3A_36 : vector<16xf32>
        %mul3A_177 = arith.mulf %gather3A_173, %get3A_40 : vector<16xf32>
        %add3A_178 = arith.addf %mul3A_176, %mul3A_177 : vector<16xf32>
        %mul3A_179 = arith.mulf %gather3A_174, %get3A_44 : vector<16xf32>
        %add3A_180 = arith.addf %add3A_178, %mul3A_179 : vector<16xf32>
        %mul3A_181 = arith.constant 2.000000e+00 : f32
        %mul3A_182 = vector.broadcast %mul3A_181 : f32 to vector<16xf32>
        %mul3A_183 = arith.mulf %mul3A_182, %add3A_180 : vector<16xf32>
        %sub3A_184 = arith.subf %get3A_48, %mul3A_183 : vector<16xf32>
        %add3A_185 = arith.addf %sub3A_184, %gather3A_175 : vector<16xf32>
        %abs3A = math.absf %add3A_185 : vector<16xf32>
        %select_n3A_186 = arith.select %lt3A, %abs3A, %broadcast_in_dim3A_17 : vector<16xi1>, vector<16xf32>
        %mul3A_187 = arith.constant 16 : i32
        %mul3A_188 = arith.muli %while3A_162, %mul3A_187 : i32
        %swap3A_189 = arith.index_cast %mul3A_188 : i32 to index
        %swap3A_190 = tpu.vector_load %arg29[%swap3A_189] {strides = array<i32>} : memref<512xf32, #tpu.memory_space<vmem>>, vector<16xf32>,
        tpu.vector_store %arg29[%swap3A_189], %select_n3A_186 {strides = array<i32>} : memref<512xf32, #tpu.memory_space<vmem>>, vector<16xf32>,
        %gather3A_191 = tpu.vector_load_idx %arg17[%select_n3A_172] : memref<16384xf32, #tpu.memory_space<vmem>>[vector<16xi32>], vector<16xf32>,
        %mul3A_192 = arith.constant 16 : i32
        %mul3A_193 = arith.muli %while3A_162, %mul3A_192 : i32
        %swap3A_194 = arith.index_cast %mul3A_193 : i32 to index
        %swap3A_195 = tpu.vector_load %arg30[%swap3A_194] {strides = array<i32>} : memref<512xf32, #tpu.memory_space<vmem>>, vector<16xf32>,
        tpu.vector_store %arg30[%swap3A_194], %gather3A_191 {strides = array<i32>} : memref<512xf32, #tpu.memory_space<vmem>>, vector<16xf32>,
        %gather3A_196 = tpu.vector_load_idx %arg18[%select_n3A_172] : memref<16384xf32, #tpu.memory_space<vmem>>[vector<16xi32>], vector<16xf32>,
        %mul3A_197 = arith.constant 16 : i32
        %mul3A_198 = arith.muli %while3A_162, %mul3A_197 : i32
        %swap3A_199 = arith.index_cast %mul3A_198 : i32 to index
        %swap3A_200 = tpu.vector_load %arg31[%swap3A_199] {strides = array<i32>} : memref<512xf32, #tpu.memory_space<vmem>>, vector<16xf32>,
        tpu.vector_store %arg31[%swap3A_199], %gather3A_196 {strides = array<i32>} : memref<512xf32, #tpu.memory_space<vmem>>, vector<16xf32>,
        %gather3A_201 = tpu.vector_load_idx %arg19[%select_n3A_172] : memref<16384xf32, #tpu.memory_space<vmem>>[vector<16xi32>], vector<16xf32>,
        %mul3A_202 = arith.constant 16 : i32
        %mul3A_203 = arith.muli %while3A_162, %mul3A_202 : i32
        %swap3A_204 = arith.index_cast %mul3A_203 : i32 to index
        %swap3A_205 = tpu.vector_load %arg32[%swap3A_204] {strides = array<i32>} : memref<512xf32, #tpu.memory_space<vmem>>, vector<16xf32>,
        tpu.vector_store %arg32[%swap3A_204], %gather3A_201 {strides = array<i32>} : memref<512xf32, #tpu.memory_space<vmem>>, vector<16xf32>,
        %while3A_206 = arith.constant 0 : i32
        scf.yield %while3A_206 : i32
      }
      %gt3A = arith.constant 64 : i32
      %gt3A_141 = arith.cmpi sgt, %reduce_max3A_58, %gt3A : i32
      %convert_element_type3A = arith.extui %gt3A_141 : i1 to i32
      %cond3A = arith.constant 0 : i32
      %cond3A_142 = arith.cmpi ne, %convert_element_type3A, %cond3A : i32
      %cond3A_143 = scf.if %cond3A_142 -> (vector<16xf32>) {
        %broadcast_in_dim3A_162 = arith.constant 0.000000e+00 : f32
        %broadcast_in_dim3A_163 = vector.broadcast %broadcast_in_dim3A_162 : f32 to vector<16xf32>
        %scan3A_164 = arith.constant 0 : i32
        %scan3A_165 = arith.constant 40 : i32
        %scan3A_166 = arith.addi %scan3A_164, %scan3A_165 : i32
        %scan3A_167 = arith.constant 1 : i32
        %scan3A_168:2 = scf.for %scan3A_170 = %scan3A_164 to %scan3A_166 step %scan3A_167 iter_args(%scan3A_171 = %broadcast_in_dim3A_163, %scan3A_172 = %broadcast_in_dim3A_15) -> (vector<16xf32>, vector<16xf32>)  : i32 {
          %add3A_173 = arith.addf %scan3A_171, %scan3A_172 : vector<16xf32>
          %mul3A_174 = arith.constant 5.000000e-01 : f32
          %mul3A_175 = vector.broadcast %mul3A_174 : f32 to vector<16xf32>
          %mul3A_176 = arith.mulf %mul3A_175, %add3A_173 : vector<16xf32>
          %while3A_177 = arith.constant 0 : i32
          %while3A_178 = arith.subi %select_n3A, %while3A_177 : i32
          %while3A_179 = arith.addi %while3A_177, %while3A_178 : i32
          %while3A_180 = arith.constant 1 : i32
          %while3A_181 = arith.divsi %while3A_178, %while3A_180 : i32
          %while3A_182 = arith.muli %while3A_181, %while3A_180 : i32
          %while3A_183 = arith.addi %while3A_177, %while3A_182 : i32
          %while3A_184 = arith.constant 1 : i32
          %while3A_185 = scf.for %while3A_192 = %while3A_177 to %while3A_183 step %while3A_184 iter_args(%while3A_193 = %broadcast_in_dim3A_11) -> (vector<16xi32>)  : i32 {
            %mul3A_194 = arith.constant 16 : i32
            %mul3A_195 = arith.muli %while3A_192, %mul3A_194 : i32
            %get3A_196 = arith.index_cast %mul3A_195 : i32 to index
            %get3A_197 = tpu.vector_load %arg29[%get3A_196] {strides = array<i32>} : memref<512xf32, #tpu.memory_space<vmem>>, vector<16xf32>,
            %le3A = arith.cmpf ole, %get3A_197, %mul3A_176 : vector<16xf32>
            %all_reduce_population_count3A = tpu.all_reduce %le3A {dim = 0 : i64, kind = #tpu.reduction_kind<sum>} : vector<16xi1> -> vector<16xi32>
            %add3A_198 = arith.addi %while3A_193, %all_reduce_population_count3A : vector<16xi32>
            scf.yield %add3A_198 : vector<16xi32>
          }
          %while3A_186 = arith.constant 1 : i32
          %while3A_187 = scf.for %while3A_192 = %while3A_183 to %while3A_179 step %while3A_186 iter_args(%while3A_193 = %while3A_185) -> (vector<16xi32>)  : i32 {
            %mul3A_194 = arith.constant 16 : i32
            %mul3A_195 = arith.muli %while3A_192, %mul3A_194 : i32
            %get3A_196 = arith.index_cast %mul3A_195 : i32 to index
            %get3A_197 = tpu.vector_load %arg29[%get3A_196] {strides = array<i32>} : memref<512xf32, #tpu.memory_space<vmem>>, vector<16xf32>,
            %le3A = arith.cmpf ole, %get3A_197, %mul3A_176 : vector<16xf32>
            %all_reduce_population_count3A = tpu.all_reduce %le3A {dim = 0 : i64, kind = #tpu.reduction_kind<sum>} : vector<16xi1> -> vector<16xi32>
            %add3A_198 = arith.addi %while3A_193, %all_reduce_population_count3A : vector<16xi32>
            scf.yield %add3A_198 : vector<16xi32>
          }
          %ge3A = arith.constant 64 : i32
          %ge3A_188 = vector.broadcast %ge3A : i32 to vector<16xi32>
          %ge3A_189 = arith.cmpi sge, %while3A_187, %ge3A_188 : vector<16xi32>
          %select_n3A_190 = arith.select %ge3A_189, %scan3A_171, %mul3A_176 : vector<16xi1>, vector<16xf32>
          %select_n3A_191 = arith.select %ge3A_189, %mul3A_176, %scan3A_172 : vector<16xi1>, vector<16xf32>
          scf.yield %select_n3A_190, %select_n3A_191 : vector<16xf32>, vector<16xf32>
        }
        %scan3A_169 = arith.constant 40 : i32
        scf.yield %scan3A_168#1 : vector<16xf32>
      } else {
        scf.yield %broadcast_in_dim3A_15 : vector<16xf32>
      }
      %while3A_144 = arith.constant 0 : i32
      %while3A_145 = arith.subi %select_n3A, %while3A_144 : i32
      %while3A_146 = arith.addi %while3A_144, %while3A_145 : i32
      %while3A_147 = arith.constant 1 : i32
      %while3A_148 = arith.divsi %while3A_145, %while3A_147 : i32
      %while3A_149 = arith.muli %while3A_148, %while3A_147 : i32
      %while3A_150 = arith.addi %while3A_144, %while3A_149 : i32
      %while3A_151 = arith.constant 1 : i32
      %while3A_152 = scf.for %while3A_162 = %while3A_144 to %while3A_150 step %while3A_151 iter_args(%while3A_163 = %broadcast_in_dim3A_11) -> (vector<16xi32>)  : i32 {
        %mul3A_164 = arith.constant 16 : i32
        %mul3A_165 = arith.muli %while3A_162, %mul3A_164 : i32
        %add3A_166 = vector.broadcast %mul3A_165 : i32 to vector<16xi32>
        %add3A_167 = arith.addi %add3A_166, %iota3A : vector<16xi32>
        %lt3A = arith.cmpi slt, %add3A_167, %parallel_loop3A_51 : vector<16xi32>
        %mul3A_168 = arith.constant 16 : i32
        %mul3A_169 = arith.muli %while3A_162, %mul3A_168 : i32
        %get3A_170 = arith.index_cast %mul3A_169 : i32 to index
        %get3A_171 = tpu.vector_load %arg29[%get3A_170] {strides = array<i32>} : memref<512xf32, #tpu.memory_space<vmem>>, vector<16xf32>,
        %le3A = arith.cmpf ole, %get3A_171, %cond3A_143 : vector<16xf32>
        %and3A_172 = arith.andi %le3A, %lt3A : vector<16xi1>
        %select_n3A_173 = arith.select %and3A_172, %broadcast_in_dim3A_13, %broadcast_in_dim3A_11 : vector<16xi1>, vector<16xi32>
        %broadcast_in_dim3A_174 = arith.constant true
        %broadcast_in_dim3A_175 = vector.broadcast %broadcast_in_dim3A_174 : i1 to vector<16xi1>
        %masked_cumsum3A = tpu.scan <sum>, %select_n3A_173 masked %broadcast_in_dim3A_175 : vector<16xi32>, vector<16xi1> -> vector<16xi32>
        %add3A_176 = arith.addi %while3A_163, %masked_cumsum3A : vector<16xi32>
        %sub3A_177 = arith.constant 1 : i32
        %sub3A_178 = vector.broadcast %sub3A_177 : i32 to vector<16xi32>
        %sub3A_179 = arith.subi %add3A_176, %sub3A_178 : vector<16xi32>
        %lt3A_180 = arith.constant 64 : i32
        %lt3A_181 = vector.broadcast %lt3A_180 : i32 to vector<16xi32>
        %lt3A_182 = arith.cmpi slt, %sub3A_179, %lt3A_181 : vector<16xi32>
        %and3A_183 = arith.andi %and3A_172, %lt3A_182 : vector<16xi1>
        %mul3A_184 = arith.constant 16 : i32
        %mul3A_185 = arith.muli %while3A_162, %mul3A_184 : i32
        %get3A_186 = arith.index_cast %mul3A_185 : i32 to index
        %get3A_187 = tpu.vector_load %arg30[%get3A_186] {strides = array<i32>} : memref<512xf32, #tpu.memory_space<vmem>>, vector<16xf32>,
        %mul3A_188 = arith.constant 16 : i32
        %mul3A_189 = arith.muli %while3A_162, %mul3A_188 : i32
        %get3A_190 = arith.index_cast %mul3A_189 : i32 to index
        %get3A_191 = tpu.vector_load %arg31[%get3A_190] {strides = array<i32>} : memref<512xf32, #tpu.memory_space<vmem>>, vector<16xf32>,
        %mul3A_192 = arith.constant 16 : i32
        %mul3A_193 = arith.muli %while3A_162, %mul3A_192 : i32
        %get3A_194 = arith.index_cast %mul3A_193 : i32 to index
        %get3A_195 = tpu.vector_load %arg32[%get3A_194] {strides = array<i32>} : memref<512xf32, #tpu.memory_space<vmem>>, vector<16xf32>,
        %add3A_196 = vector.broadcast %mul3A_60 : i32 to vector<16xi32>
        %add3A_197 = arith.addi %add3A_196, %sub3A_179 : vector<16xi32>
        tpu.vector_store_idx %arg33[%add3A_197], %get3A_187 masked %and3A_183 : memref<2048xf32, #tpu.memory_space<vmem>>[vector<16xi32>], vector<16xf32>, vector<16xi1>
        %add3A_198 = vector.broadcast %mul3A_60 : i32 to vector<16xi32>
        %add3A_199 = arith.addi %add3A_198, %sub3A_179 : vector<16xi32>
        tpu.vector_store_idx %arg34[%add3A_199], %get3A_191 masked %and3A_183 : memref<2048xf32, #tpu.memory_space<vmem>>[vector<16xi32>], vector<16xf32>, vector<16xi1>
        %add3A_200 = vector.broadcast %mul3A_60 : i32 to vector<16xi32>
        %add3A_201 = arith.addi %add3A_200, %sub3A_179 : vector<16xi32>
        tpu.vector_store_idx %arg35[%add3A_201], %get3A_195 masked %and3A_183 : memref<2048xf32, #tpu.memory_space<vmem>>[vector<16xi32>], vector<16xf32>, vector<16xi1>
        %all_reduce_population_count3A = tpu.all_reduce %and3A_183 {dim = 0 : i64, kind = #tpu.reduction_kind<sum>} : vector<16xi1> -> vector<16xi32>
        %add3A_202 = arith.addi %while3A_163, %all_reduce_population_count3A : vector<16xi32>
        scf.yield %add3A_202 : vector<16xi32>
      }
      %while3A_153 = arith.constant 1 : i32
      %while3A_154 = scf.for %while3A_162 = %while3A_150 to %while3A_146 step %while3A_153 iter_args(%while3A_163 = %while3A_152) -> (vector<16xi32>)  : i32 {
        %mul3A_164 = arith.constant 16 : i32
        %mul3A_165 = arith.muli %while3A_162, %mul3A_164 : i32
        %add3A_166 = vector.broadcast %mul3A_165 : i32 to vector<16xi32>
        %add3A_167 = arith.addi %add3A_166, %iota3A : vector<16xi32>
        %lt3A = arith.cmpi slt, %add3A_167, %parallel_loop3A_51 : vector<16xi32>
        %mul3A_168 = arith.constant 16 : i32
        %mul3A_169 = arith.muli %while3A_162, %mul3A_168 : i32
        %get3A_170 = arith.index_cast %mul3A_169 : i32 to index
        %get3A_171 = tpu.vector_load %arg29[%get3A_170] {strides = array<i32>} : memref<512xf32, #tpu.memory_space<vmem>>, vector<16xf32>,
        %le3A = arith.cmpf ole, %get3A_171, %cond3A_143 : vector<16xf32>
        %and3A_172 = arith.andi %le3A, %lt3A : vector<16xi1>
        %select_n3A_173 = arith.select %and3A_172, %broadcast_in_dim3A_13, %broadcast_in_dim3A_11 : vector<16xi1>, vector<16xi32>
        %broadcast_in_dim3A_174 = arith.constant true
        %broadcast_in_dim3A_175 = vector.broadcast %broadcast_in_dim3A_174 : i1 to vector<16xi1>
        %masked_cumsum3A = tpu.scan <sum>, %select_n3A_173 masked %broadcast_in_dim3A_175 : vector<16xi32>, vector<16xi1> -> vector<16xi32>
        %add3A_176 = arith.addi %while3A_163, %masked_cumsum3A : vector<16xi32>
        %sub3A_177 = arith.constant 1 : i32
        %sub3A_178 = vector.broadcast %sub3A_177 : i32 to vector<16xi32>
        %sub3A_179 = arith.subi %add3A_176, %sub3A_178 : vector<16xi32>
        %lt3A_180 = arith.constant 64 : i32
        %lt3A_181 = vector.broadcast %lt3A_180 : i32 to vector<16xi32>
        %lt3A_182 = arith.cmpi slt, %sub3A_179, %lt3A_181 : vector<16xi32>
        %and3A_183 = arith.andi %and3A_172, %lt3A_182 : vector<16xi1>
        %mul3A_184 = arith.constant 16 : i32
        %mul3A_185 = arith.muli %while3A_162, %mul3A_184 : i32
        %get3A_186 = arith.index_cast %mul3A_185 : i32 to index
        %get3A_187 = tpu.vector_load %arg30[%get3A_186] {strides = array<i32>} : memref<512xf32, #tpu.memory_space<vmem>>, vector<16xf32>,
        %mul3A_188 = arith.constant 16 : i32
        %mul3A_189 = arith.muli %while3A_162, %mul3A_188 : i32
        %get3A_190 = arith.index_cast %mul3A_189 : i32 to index
        %get3A_191 = tpu.vector_load %arg31[%get3A_190] {strides = array<i32>} : memref<512xf32, #tpu.memory_space<vmem>>, vector<16xf32>,
        %mul3A_192 = arith.constant 16 : i32
        %mul3A_193 = arith.muli %while3A_162, %mul3A_192 : i32
        %get3A_194 = arith.index_cast %mul3A_193 : i32 to index
        %get3A_195 = tpu.vector_load %arg32[%get3A_194] {strides = array<i32>} : memref<512xf32, #tpu.memory_space<vmem>>, vector<16xf32>,
        %add3A_196 = vector.broadcast %mul3A_60 : i32 to vector<16xi32>
        %add3A_197 = arith.addi %add3A_196, %sub3A_179 : vector<16xi32>
        tpu.vector_store_idx %arg33[%add3A_197], %get3A_187 masked %and3A_183 : memref<2048xf32, #tpu.memory_space<vmem>>[vector<16xi32>], vector<16xf32>, vector<16xi1>
        %add3A_198 = vector.broadcast %mul3A_60 : i32 to vector<16xi32>
        %add3A_199 = arith.addi %add3A_198, %sub3A_179 : vector<16xi32>
        tpu.vector_store_idx %arg34[%add3A_199], %get3A_191 masked %and3A_183 : memref<2048xf32, #tpu.memory_space<vmem>>[vector<16xi32>], vector<16xf32>, vector<16xi1>
        %add3A_200 = vector.broadcast %mul3A_60 : i32 to vector<16xi32>
        %add3A_201 = arith.addi %add3A_200, %sub3A_179 : vector<16xi32>
        tpu.vector_store_idx %arg35[%add3A_201], %get3A_195 masked %and3A_183 : memref<2048xf32, #tpu.memory_space<vmem>>[vector<16xi32>], vector<16xf32>, vector<16xi1>
        %all_reduce_population_count3A = tpu.all_reduce %and3A_183 {dim = 0 : i64, kind = #tpu.reduction_kind<sum>} : vector<16xi1> -> vector<16xi32>
        %add3A_202 = arith.addi %while3A_163, %all_reduce_population_count3A : vector<16xi32>
        scf.yield %add3A_202 : vector<16xi32>
      }
      %min3A = arith.constant 64 : i32
      %min3A_155 = vector.broadcast %min3A : i32 to vector<16xi32>
      %min3A_156 = arith.minsi %parallel_loop3A_51, %min3A_155 : vector<16xi32>
      %mul3A_157 = arith.constant 16 : i32
      %mul3A_158 = arith.muli %scan3A_32, %mul3A_157 : i32
      %swap3A_159 = arith.index_cast %mul3A_158 : i32 to index
      %swap3A_160 = tpu.vector_load %arg36[%swap3A_159] {strides = array<i32>} : memref<512xi32, #tpu.memory_space<vmem>>, vector<16xi32>,
      tpu.vector_store %arg36[%swap3A_159], %min3A_156 {strides = array<i32>} : memref<512xi32, #tpu.memory_space<vmem>>, vector<16xi32>,
      %scan3A_161 = arith.constant 0 : i32
      scf.yield %scan3A_161 : i32
    }
    %scan3A_23 = arith.constant 32 : i32
    %mul3A_24 = arith.constant 64 : i32
    %mul3A_25 = arith.muli %mul3A_2, %mul3A_24 : i32
    "tpu.region"() ({
      %run_scoped3A = tpu.sem_alloc : memref<!tpu.dma_semaphore, #tpu.memory_space<semaphore_mem>>
      %dma_start3A = tpu.memref_slice %arg13[%mul3A_25] : memref<65536xf32, #tpu.memory_space<hbm>> -> memref<2048xf32, #tpu.memory_space<hbm>>
      %dma_start3A_32 = tpu.memref_slice %arg13[%mul3A_25] : memref<65536xf32, #tpu.memory_space<hbm>> -> memref<2048xf32, #tpu.memory_space<hbm>>
      tpu.enqueue_dma source(%arg33 : memref<2048xf32, #tpu.memory_space<vmem>>) target(%dma_start3A_32 : memref<2048xf32, #tpu.memory_space<hbm>>) target_semaphore(%run_scoped3A : memref<!tpu.dma_semaphore, #tpu.memory_space<semaphore_mem>>)
      %dma_wait3A = tpu.memref_slice %arg13[%mul3A_25] : memref<65536xf32, #tpu.memory_space<hbm>> -> memref<2048xf32, #tpu.memory_space<hbm>>
      %dma_wait3A_33 = tpu.memref_slice %arg13[%mul3A_25] : memref<65536xf32, #tpu.memory_space<hbm>> -> memref<2048xf32, #tpu.memory_space<hbm>>
      tpu.wait_dma2 semaphore(%run_scoped3A : memref<!tpu.dma_semaphore, #tpu.memory_space<semaphore_mem>>) src(%arg33 : memref<2048xf32, #tpu.memory_space<vmem>>) dst(%dma_wait3A_33 : memref<2048xf32, #tpu.memory_space<hbm>>)
      tpu.yield
    }) : () -> ()
    %mul3A_26 = arith.constant 64 : i32
    %mul3A_27 = arith.muli %mul3A_2, %mul3A_26 : i32
    "tpu.region"() ({
      %run_scoped3A = tpu.sem_alloc : memref<!tpu.dma_semaphore, #tpu.memory_space<semaphore_mem>>
      %dma_start3A = tpu.memref_slice %arg14[%mul3A_27] : memref<65536xf32, #tpu.memory_space<hbm>> -> memref<2048xf32, #tpu.memory_space<hbm>>
      %dma_start3A_32 = tpu.memref_slice %arg14[%mul3A_27] : memref<65536xf32, #tpu.memory_space<hbm>> -> memref<2048xf32, #tpu.memory_space<hbm>>
      tpu.enqueue_dma source(%arg34 : memref<2048xf32, #tpu.memory_space<vmem>>) target(%dma_start3A_32 : memref<2048xf32, #tpu.memory_space<hbm>>) target_semaphore(%run_scoped3A : memref<!tpu.dma_semaphore, #tpu.memory_space<semaphore_mem>>)
      %dma_wait3A = tpu.memref_slice %arg14[%mul3A_27] : memref<65536xf32, #tpu.memory_space<hbm>> -> memref<2048xf32, #tpu.memory_space<hbm>>
      %dma_wait3A_33 = tpu.memref_slice %arg14[%mul3A_27] : memref<65536xf32, #tpu.memory_space<hbm>> -> memref<2048xf32, #tpu.memory_space<hbm>>
      tpu.wait_dma2 semaphore(%run_scoped3A : memref<!tpu.dma_semaphore, #tpu.memory_space<semaphore_mem>>) src(%arg34 : memref<2048xf32, #tpu.memory_space<vmem>>) dst(%dma_wait3A_33 : memref<2048xf32, #tpu.memory_space<hbm>>)
      tpu.yield
    }) : () -> ()
    %mul3A_28 = arith.constant 64 : i32
    %mul3A_29 = arith.muli %mul3A_2, %mul3A_28 : i32
    "tpu.region"() ({
      %run_scoped3A = tpu.sem_alloc : memref<!tpu.dma_semaphore, #tpu.memory_space<semaphore_mem>>
      %dma_start3A = tpu.memref_slice %arg15[%mul3A_29] : memref<65536xf32, #tpu.memory_space<hbm>> -> memref<2048xf32, #tpu.memory_space<hbm>>
      %dma_start3A_32 = tpu.memref_slice %arg15[%mul3A_29] : memref<65536xf32, #tpu.memory_space<hbm>> -> memref<2048xf32, #tpu.memory_space<hbm>>
      tpu.enqueue_dma source(%arg35 : memref<2048xf32, #tpu.memory_space<vmem>>) target(%dma_start3A_32 : memref<2048xf32, #tpu.memory_space<hbm>>) target_semaphore(%run_scoped3A : memref<!tpu.dma_semaphore, #tpu.memory_space<semaphore_mem>>)
      %dma_wait3A = tpu.memref_slice %arg15[%mul3A_29] : memref<65536xf32, #tpu.memory_space<hbm>> -> memref<2048xf32, #tpu.memory_space<hbm>>
      %dma_wait3A_33 = tpu.memref_slice %arg15[%mul3A_29] : memref<65536xf32, #tpu.memory_space<hbm>> -> memref<2048xf32, #tpu.memory_space<hbm>>
      tpu.wait_dma2 semaphore(%run_scoped3A : memref<!tpu.dma_semaphore, #tpu.memory_space<semaphore_mem>>) src(%arg35 : memref<2048xf32, #tpu.memory_space<vmem>>) dst(%dma_wait3A_33 : memref<2048xf32, #tpu.memory_space<hbm>>)
      tpu.yield
    }) : () -> ()
    %mul3A_30 = arith.constant 16 : i32
    %mul3A_31 = arith.muli %mul3A_2, %mul3A_30 : i32
    "tpu.region"() ({
      %run_scoped3A = tpu.sem_alloc : memref<!tpu.dma_semaphore, #tpu.memory_space<semaphore_mem>>
      %dma_start3A = tpu.memref_slice %arg16[%mul3A_31] : memref<16384xi32, #tpu.memory_space<hbm>> -> memref<512xi32, #tpu.memory_space<hbm>>
      %dma_start3A_32 = tpu.memref_slice %arg16[%mul3A_31] : memref<16384xi32, #tpu.memory_space<hbm>> -> memref<512xi32, #tpu.memory_space<hbm>>
      tpu.enqueue_dma source(%arg36 : memref<512xi32, #tpu.memory_space<vmem>>) target(%dma_start3A_32 : memref<512xi32, #tpu.memory_space<hbm>>) target_semaphore(%run_scoped3A : memref<!tpu.dma_semaphore, #tpu.memory_space<semaphore_mem>>)
      %dma_wait3A = tpu.memref_slice %arg16[%mul3A_31] : memref<16384xi32, #tpu.memory_space<hbm>> -> memref<512xi32, #tpu.memory_space<hbm>>
      %dma_wait3A_33 = tpu.memref_slice %arg16[%mul3A_31] : memref<16384xi32, #tpu.memory_space<hbm>> -> memref<512xi32, #tpu.memory_space<hbm>>
      tpu.wait_dma2 semaphore(%run_scoped3A : memref<!tpu.dma_semaphore, #tpu.memory_space<semaphore_mem>>) src(%arg36 : memref<512xi32, #tpu.memory_space<vmem>>) dst(%dma_wait3A_33 : memref<512xi32, #tpu.memory_space<hbm>>)
      tpu.yield
    }) : () -> ()
    return
  }
}

module attributes {stable_mosaic.version = 14 : i64} {
  func.func @_fps_body(%arg0: memref<128x128xf32, #tpu.memory_space<vmem>>, %arg1: memref<128x128xf32, #tpu.memory_space<vmem>>, %arg2: memref<128x128xf32, #tpu.memory_space<vmem>>, %arg3: memref<1024xf32, #tpu.memory_space<smem>>, %arg4: memref<1024xf32, #tpu.memory_space<smem>>, %arg5: memref<1024xf32, #tpu.memory_space<smem>>) attributes {dimension_semantics = [], scalar_prefetch = 0 : i64, scratch_operands = 0 : i64, tpu.core_type = #tpu.core_type<tc>} {
    %get3A = arith.constant 0 : index
    %get3A_0 = arith.constant 0 : index
    %get3A_1 = vector.load %arg0[%get3A, %get3A_0] : memref<128x128xf32, #tpu.memory_space<vmem>>, vector<128x128xf32>
    %get3A_2 = arith.constant 0 : index
    %get3A_3 = arith.constant 0 : index
    %get3A_4 = vector.load %arg1[%get3A_2, %get3A_3] : memref<128x128xf32, #tpu.memory_space<vmem>>, vector<128x128xf32>
    %get3A_5 = arith.constant 0 : index
    %get3A_6 = arith.constant 0 : index
    %get3A_7 = vector.load %arg2[%get3A_5, %get3A_6] : memref<128x128xf32, #tpu.memory_space<vmem>>, vector<128x128xf32>
    %iota3A = tpu.iota {dimensions = array<i32: 0>} : vector<128x128xi32>
    %iota3A_8 = tpu.iota {dimensions = array<i32: 1>} : vector<128x128xi32>
    %mul3A = arith.constant 128 : i32
    %mul3A_9 = vector.broadcast %mul3A : i32 to vector<128x128xi32>
    %mul3A_10 = arith.muli %iota3A, %mul3A_9 : vector<128x128xi32>
    %add3A = arith.addi %mul3A_10, %iota3A_8 : vector<128x128xi32>
    %eq3A = arith.constant 0 : i32
    %eq3A_11 = vector.broadcast %eq3A : i32 to vector<128x128xi32>
    %eq3A_12 = arith.cmpi eq, %add3A, %eq3A_11 : vector<128x128xi32>
    %jit3A = arith.constant 0.000000e+00 : f32
    %broadcast_in_dim3A = vector.broadcast %jit3A : f32 to vector<128x128xf32>
    %select_n3A = arith.select %eq3A_12, %get3A_1, %broadcast_in_dim3A : vector<128x128xi1>, vector<128x128xf32>
    %reduce_sum3A = vector.shape_cast %select_n3A : vector<128x128xf32> to vector<1x128x128xf32>
    %reduce_sum3A_13 = arith.constant dense<0.000000e+00> : vector<1xf32>
    %reduce_sum3A_14 = vector.multi_reduction <add>, %reduce_sum3A, %reduce_sum3A_13 [1, 2] : vector<1x128x128xf32> to vector<1xf32>
    %reduce_sum3A_15 = vector.shape_cast %reduce_sum3A_14 : vector<1xf32> to vector<1x1x1xf32>
    %reduce_sum3A_16 = vector.extract %reduce_sum3A_15[0, 0, 0] : f32 from vector<1x1x1xf32>
    %eq3A_17 = arith.constant 0 : i32
    %eq3A_18 = vector.broadcast %eq3A_17 : i32 to vector<128x128xi32>
    %eq3A_19 = arith.cmpi eq, %add3A, %eq3A_18 : vector<128x128xi32>
    %jit3A_20 = arith.constant 0.000000e+00 : f32
    %broadcast_in_dim3A_21 = vector.broadcast %jit3A_20 : f32 to vector<128x128xf32>
    %select_n3A_22 = arith.select %eq3A_19, %get3A_4, %broadcast_in_dim3A_21 : vector<128x128xi1>, vector<128x128xf32>
    %reduce_sum3A_23 = vector.shape_cast %select_n3A_22 : vector<128x128xf32> to vector<1x128x128xf32>
    %reduce_sum3A_24 = arith.constant dense<0.000000e+00> : vector<1xf32>
    %reduce_sum3A_25 = vector.multi_reduction <add>, %reduce_sum3A_23, %reduce_sum3A_24 [1, 2] : vector<1x128x128xf32> to vector<1xf32>
    %reduce_sum3A_26 = vector.shape_cast %reduce_sum3A_25 : vector<1xf32> to vector<1x1x1xf32>
    %reduce_sum3A_27 = vector.extract %reduce_sum3A_26[0, 0, 0] : f32 from vector<1x1x1xf32>
    %eq3A_28 = arith.constant 0 : i32
    %eq3A_29 = vector.broadcast %eq3A_28 : i32 to vector<128x128xi32>
    %eq3A_30 = arith.cmpi eq, %add3A, %eq3A_29 : vector<128x128xi32>
    %jit3A_31 = arith.constant 0.000000e+00 : f32
    %broadcast_in_dim3A_32 = vector.broadcast %jit3A_31 : f32 to vector<128x128xf32>
    %select_n3A_33 = arith.select %eq3A_30, %get3A_7, %broadcast_in_dim3A_32 : vector<128x128xi1>, vector<128x128xf32>
    %reduce_sum3A_34 = vector.shape_cast %select_n3A_33 : vector<128x128xf32> to vector<1x128x128xf32>
    %reduce_sum3A_35 = arith.constant dense<0.000000e+00> : vector<1xf32>
    %reduce_sum3A_36 = vector.multi_reduction <add>, %reduce_sum3A_34, %reduce_sum3A_35 [1, 2] : vector<1x128x128xf32> to vector<1xf32>
    %reduce_sum3A_37 = vector.shape_cast %reduce_sum3A_36 : vector<1xf32> to vector<1x1x1xf32>
    %reduce_sum3A_38 = vector.extract %reduce_sum3A_37[0, 0, 0] : f32 from vector<1x1x1xf32>
    %swap3A = arith.constant 0 : index
    %swap3A_39 = memref.load %arg3[%swap3A] : memref<1024xf32, #tpu.memory_space<smem>>
    memref.store %reduce_sum3A_16, %arg3[%swap3A] : memref<1024xf32, #tpu.memory_space<smem>>
    %swap3A_40 = arith.constant 0 : index
    %swap3A_41 = memref.load %arg4[%swap3A_40] : memref<1024xf32, #tpu.memory_space<smem>>
    memref.store %reduce_sum3A_27, %arg4[%swap3A_40] : memref<1024xf32, #tpu.memory_space<smem>>
    %swap3A_42 = arith.constant 0 : index
    %swap3A_43 = memref.load %arg5[%swap3A_42] : memref<1024xf32, #tpu.memory_space<smem>>
    memref.store %reduce_sum3A_38, %arg5[%swap3A_42] : memref<1024xf32, #tpu.memory_space<smem>>
    %broadcast_in_dim3A_44 = arith.constant 0x7F800000 : f32
    %broadcast_in_dim3A_45 = vector.broadcast %broadcast_in_dim3A_44 : f32 to vector<128x128xf32>
    %scan3A = arith.constant 1 : i32
    %scan3A_46 = arith.constant 1023 : i32
    %scan3A_47 = arith.addi %scan3A, %scan3A_46 : i32
    %scan3A_48 = arith.constant 1 : i32
    %scan3A_49:4 = scf.for %scan3A_51 = %scan3A to %scan3A_47 step %scan3A_48 iter_args(%scan3A_52 = %broadcast_in_dim3A_45, %scan3A_53 = %reduce_sum3A_16, %scan3A_54 = %reduce_sum3A_27, %scan3A_55 = %reduce_sum3A_38) -> (vector<128x128xf32>, f32, f32, f32)  : i32 {
      %sub3A = vector.broadcast %scan3A_53 : f32 to vector<128x128xf32>
      %sub3A_56 = arith.subf %get3A_1, %sub3A : vector<128x128xf32>
      %sub3A_57 = vector.broadcast %scan3A_54 : f32 to vector<128x128xf32>
      %sub3A_58 = arith.subf %get3A_4, %sub3A_57 : vector<128x128xf32>
      %sub3A_59 = vector.broadcast %scan3A_55 : f32 to vector<128x128xf32>
      %sub3A_60 = arith.subf %get3A_7, %sub3A_59 : vector<128x128xf32>
      %mul3A_61 = arith.mulf %sub3A_56, %sub3A_56 : vector<128x128xf32>
      %mul3A_62 = arith.mulf %sub3A_58, %sub3A_58 : vector<128x128xf32>
      %add3A_63 = arith.addf %mul3A_61, %mul3A_62 : vector<128x128xf32>
      %mul3A_64 = arith.mulf %sub3A_60, %sub3A_60 : vector<128x128xf32>
      %add3A_65 = arith.addf %add3A_63, %mul3A_64 : vector<128x128xf32>
      %min3A = arith.minimumf %scan3A_52, %add3A_65 : vector<128x128xf32>
      %reduce_max3A = vector.shape_cast %min3A : vector<128x128xf32> to vector<1x128x128xf32>
      %reduce_max3A_66 = arith.constant dense<0xFF800000> : vector<1xf32>
      %reduce_max3A_67 = vector.multi_reduction <maximumf>, %reduce_max3A, %reduce_max3A_66 [1, 2] : vector<1x128x128xf32> to vector<1xf32>
      %reduce_max3A_68 = vector.shape_cast %reduce_max3A_67 : vector<1xf32> to vector<1x1x1xf32>
      %reduce_max3A_69 = vector.extract %reduce_max3A_68[0, 0, 0] : f32 from vector<1x1x1xf32>
      %eq3A_70 = vector.broadcast %reduce_max3A_69 : f32 to vector<128x128xf32>
      %eq3A_71 = arith.cmpf oeq, %min3A, %eq3A_70 : vector<128x128xf32>
      %jit3A_72 = arith.constant 1073741824 : i32
      %broadcast_in_dim3A_73 = vector.broadcast %jit3A_72 : i32 to vector<128x128xi32>
      %select_n3A_74 = arith.select %eq3A_71, %add3A, %broadcast_in_dim3A_73 : vector<128x128xi1>, vector<128x128xi32>
      %reduce_min3A = vector.shape_cast %select_n3A_74 : vector<128x128xi32> to vector<1x128x128xi32>
      %reduce_min3A_75 = arith.constant dense<2147483647> : vector<1xi32>
      %reduce_min3A_76 = vector.multi_reduction <minsi>, %reduce_min3A, %reduce_min3A_75 [1, 2] : vector<1x128x128xi32> to vector<1xi32>
      %reduce_min3A_77 = vector.shape_cast %reduce_min3A_76 : vector<1xi32> to vector<1x1x1xi32>
      %reduce_min3A_78 = vector.extract %reduce_min3A_77[0, 0, 0] : i32 from vector<1x1x1xi32>
      %eq3A_79 = vector.broadcast %reduce_min3A_78 : i32 to vector<128x128xi32>
      %eq3A_80 = arith.cmpi eq, %add3A, %eq3A_79 : vector<128x128xi32>
      %jit3A_81 = arith.constant 0.000000e+00 : f32
      %broadcast_in_dim3A_82 = vector.broadcast %jit3A_81 : f32 to vector<128x128xf32>
      %select_n3A_83 = arith.select %eq3A_80, %get3A_1, %broadcast_in_dim3A_82 : vector<128x128xi1>, vector<128x128xf32>
      %reduce_sum3A_84 = vector.shape_cast %select_n3A_83 : vector<128x128xf32> to vector<1x128x128xf32>
      %reduce_sum3A_85 = arith.constant dense<0.000000e+00> : vector<1xf32>
      %reduce_sum3A_86 = vector.multi_reduction <add>, %reduce_sum3A_84, %reduce_sum3A_85 [1, 2] : vector<1x128x128xf32> to vector<1xf32>
      %reduce_sum3A_87 = vector.shape_cast %reduce_sum3A_86 : vector<1xf32> to vector<1x1x1xf32>
      %reduce_sum3A_88 = vector.extract %reduce_sum3A_87[0, 0, 0] : f32 from vector<1x1x1xf32>
      %eq3A_89 = vector.broadcast %reduce_min3A_78 : i32 to vector<128x128xi32>
      %eq3A_90 = arith.cmpi eq, %add3A, %eq3A_89 : vector<128x128xi32>
      %jit3A_91 = arith.constant 0.000000e+00 : f32
      %broadcast_in_dim3A_92 = vector.broadcast %jit3A_91 : f32 to vector<128x128xf32>
      %select_n3A_93 = arith.select %eq3A_90, %get3A_4, %broadcast_in_dim3A_92 : vector<128x128xi1>, vector<128x128xf32>
      %reduce_sum3A_94 = vector.shape_cast %select_n3A_93 : vector<128x128xf32> to vector<1x128x128xf32>
      %reduce_sum3A_95 = arith.constant dense<0.000000e+00> : vector<1xf32>
      %reduce_sum3A_96 = vector.multi_reduction <add>, %reduce_sum3A_94, %reduce_sum3A_95 [1, 2] : vector<1x128x128xf32> to vector<1xf32>
      %reduce_sum3A_97 = vector.shape_cast %reduce_sum3A_96 : vector<1xf32> to vector<1x1x1xf32>
      %reduce_sum3A_98 = vector.extract %reduce_sum3A_97[0, 0, 0] : f32 from vector<1x1x1xf32>
      %eq3A_99 = vector.broadcast %reduce_min3A_78 : i32 to vector<128x128xi32>
      %eq3A_100 = arith.cmpi eq, %add3A, %eq3A_99 : vector<128x128xi32>
      %jit3A_101 = arith.constant 0.000000e+00 : f32
      %broadcast_in_dim3A_102 = vector.broadcast %jit3A_101 : f32 to vector<128x128xf32>
      %select_n3A_103 = arith.select %eq3A_100, %get3A_7, %broadcast_in_dim3A_102 : vector<128x128xi1>, vector<128x128xf32>
      %reduce_sum3A_104 = vector.shape_cast %select_n3A_103 : vector<128x128xf32> to vector<1x128x128xf32>
      %reduce_sum3A_105 = arith.constant dense<0.000000e+00> : vector<1xf32>
      %reduce_sum3A_106 = vector.multi_reduction <add>, %reduce_sum3A_104, %reduce_sum3A_105 [1, 2] : vector<1x128x128xf32> to vector<1xf32>
      %reduce_sum3A_107 = vector.shape_cast %reduce_sum3A_106 : vector<1xf32> to vector<1x1x1xf32>
      %reduce_sum3A_108 = vector.extract %reduce_sum3A_107[0, 0, 0] : f32 from vector<1x1x1xf32>
      %swap3A_109 = arith.index_cast %scan3A_51 : i32 to index
      %swap3A_110 = memref.load %arg3[%swap3A_109] : memref<1024xf32, #tpu.memory_space<smem>>
      memref.store %reduce_sum3A_88, %arg3[%swap3A_109] : memref<1024xf32, #tpu.memory_space<smem>>
      %swap3A_111 = arith.index_cast %scan3A_51 : i32 to index
      %swap3A_112 = memref.load %arg4[%swap3A_111] : memref<1024xf32, #tpu.memory_space<smem>>
      memref.store %reduce_sum3A_98, %arg4[%swap3A_111] : memref<1024xf32, #tpu.memory_space<smem>>
      %swap3A_113 = arith.index_cast %scan3A_51 : i32 to index
      %swap3A_114 = memref.load %arg5[%swap3A_113] : memref<1024xf32, #tpu.memory_space<smem>>
      memref.store %reduce_sum3A_108, %arg5[%swap3A_113] : memref<1024xf32, #tpu.memory_space<smem>>
      scf.yield %min3A, %reduce_sum3A_88, %reduce_sum3A_98, %reduce_sum3A_108 : vector<128x128xf32>, f32, f32, f32
    }
    %scan3A_50 = arith.constant 1023 : i32
    return
  }
}

module attributes {stable_mosaic.version = 14 : i64} {
  func.func @_mlp_kernel(%arg0: i32, %arg1: memref<8192x8xf32, #tpu.memory_space<vmem>>, %arg2: memref<8192x1xi32, #tpu.memory_space<vmem>>, %arg3: memref<8x64xf32, #tpu.memory_space<vmem>>, %arg4: memref<64xf32, #tpu.memory_space<vmem>>, %arg5: memref<64x64xf32, #tpu.memory_space<vmem>>, %arg6: memref<64xf32, #tpu.memory_space<vmem>>, %arg7: memref<64x128xf32, #tpu.memory_space<vmem>>, %arg8: memref<128xf32, #tpu.memory_space<vmem>>, %arg9: memref<128x128xf32, #tpu.memory_space<vmem>>) attributes {dimension_semantics = [#tpu.dimension_semantics<arbitrary>], iteration_bounds = array<i64: 8>, scalar_prefetch = 0 : i64, scratch_operands = 0 : i64, tpu.core_type = #tpu.core_type<tc>, window_params = [{transform_indices = @transform_0, window_bounds = array<i64: 8192, 8>}, {transform_indices = @transform_1, window_bounds = array<i64: 8192, 1>}, {pipeline_mode = #tpu.pipeline_mode<synchronous>, transform_indices = @transform_2, window_bounds = array<i64: 8, 64>}, {pipeline_mode = #tpu.pipeline_mode<synchronous>, transform_indices = @transform_3, window_bounds = array<i64: 64>}, {pipeline_mode = #tpu.pipeline_mode<synchronous>, transform_indices = @transform_4, window_bounds = array<i64: 64, 64>}, {pipeline_mode = #tpu.pipeline_mode<synchronous>, transform_indices = @transform_5, window_bounds = array<i64: 64>}, {pipeline_mode = #tpu.pipeline_mode<synchronous>, transform_indices = @transform_6, window_bounds = array<i64: 64, 128>}, {pipeline_mode = #tpu.pipeline_mode<synchronous>, transform_indices = @transform_7, window_bounds = array<i64: 128>}, {transform_indices = @transform_8, window_bounds = array<i64: 128, 128>}]} {
    %get3A = arith.constant 0 : index
    %get3A_0 = arith.constant 0 : index
    %get3A_1 = vector.load %arg1[%get3A, %get3A_0] : memref<8192x8xf32, #tpu.memory_space<vmem>>, vector<8192x8xf32>
    %get3A_2 = arith.constant 0 : index
    %get3A_3 = arith.constant 0 : index
    %get3A_4 = vector.load %arg3[%get3A_2, %get3A_3] : memref<8x64xf32, #tpu.memory_space<vmem>>, vector<8x64xf32>
    %dot_general3A = arith.constant dense<0.000000e+00> : vector<8192x64xf32>
    %dot_general3A_5 = tpu.matmul %get3A_1, %get3A_4, %dot_general3A {dimension_numbers = #tpu.dot_dimension_numbers<[1], [0], [0], [1], [0, 0, 1, 1], [], []>, transpose_lhs_hint = false} : vector<8192x8xf32>, vector<8x64xf32>, vector<8192x64xf32> -> vector<8192x64xf32>
    %get3A_6 = arith.constant 0 : index
    %get3A_7 = vector.load %arg4[%get3A_6] : memref<64xf32, #tpu.memory_space<vmem>>, vector<64xf32>
    %broadcast_in_dim3A = vector.shape_cast %get3A_7 : vector<64xf32> to vector<1x64xf32>
    %add3A = vector.broadcast %broadcast_in_dim3A : vector<1x64xf32> to vector<8192x64xf32>
    %add3A_8 = arith.addf %dot_general3A_5, %add3A : vector<8192x64xf32>
    %max3A = arith.constant 0.000000e+00 : f32
    %max3A_9 = vector.broadcast %max3A : f32 to vector<8192x64xf32>
    %max3A_10 = arith.maximumf %add3A_8, %max3A_9 : vector<8192x64xf32>
    %get3A_11 = arith.constant 0 : index
    %get3A_12 = arith.constant 0 : index
    %get3A_13 = vector.load %arg5[%get3A_11, %get3A_12] : memref<64x64xf32, #tpu.memory_space<vmem>>, vector<64x64xf32>
    %dot_general3A_14 = arith.constant dense<0.000000e+00> : vector<8192x64xf32>
    %dot_general3A_15 = tpu.matmul %max3A_10, %get3A_13, %dot_general3A_14 {dimension_numbers = #tpu.dot_dimension_numbers<[1], [0], [0], [1], [0, 0, 1, 1], [], []>, transpose_lhs_hint = false} : vector<8192x64xf32>, vector<64x64xf32>, vector<8192x64xf32> -> vector<8192x64xf32>
    %get3A_16 = arith.constant 0 : index
    %get3A_17 = vector.load %arg6[%get3A_16] : memref<64xf32, #tpu.memory_space<vmem>>, vector<64xf32>
    %broadcast_in_dim3A_18 = vector.shape_cast %get3A_17 : vector<64xf32> to vector<1x64xf32>
    %add3A_19 = vector.broadcast %broadcast_in_dim3A_18 : vector<1x64xf32> to vector<8192x64xf32>
    %add3A_20 = arith.addf %dot_general3A_15, %add3A_19 : vector<8192x64xf32>
    %max3A_21 = arith.constant 0.000000e+00 : f32
    %max3A_22 = vector.broadcast %max3A_21 : f32 to vector<8192x64xf32>
    %max3A_23 = arith.maximumf %add3A_20, %max3A_22 : vector<8192x64xf32>
    %get3A_24 = arith.constant 0 : index
    %get3A_25 = arith.constant 0 : index
    %get3A_26 = vector.load %arg7[%get3A_24, %get3A_25] : memref<64x128xf32, #tpu.memory_space<vmem>>, vector<64x128xf32>
    %dot_general3A_27 = arith.constant dense<0.000000e+00> : vector<8192x128xf32>
    %dot_general3A_28 = tpu.matmul %max3A_23, %get3A_26, %dot_general3A_27 {dimension_numbers = #tpu.dot_dimension_numbers<[1], [0], [0], [1], [0, 0, 1, 1], [], []>, transpose_lhs_hint = false} : vector<8192x64xf32>, vector<64x128xf32>, vector<8192x128xf32> -> vector<8192x128xf32>
    %get3A_29 = arith.constant 0 : index
    %get3A_30 = vector.load %arg8[%get3A_29] : memref<128xf32, #tpu.memory_space<vmem>>, vector<128xf32>
    %broadcast_in_dim3A_31 = vector.shape_cast %get3A_30 : vector<128xf32> to vector<1x128xf32>
    %add3A_32 = vector.broadcast %broadcast_in_dim3A_31 : vector<1x128xf32> to vector<8192x128xf32>
    %add3A_33 = arith.addf %dot_general3A_28, %add3A_32 : vector<8192x128xf32>
    %get3A_34 = arith.constant 0 : index
    %get3A_35 = arith.constant 0 : index
    %get3A_36 = vector.load %arg2[%get3A_34, %get3A_35] : memref<8192x1xi32, #tpu.memory_space<vmem>>, vector<8192x1xi32>
    %gt3A = arith.constant 0 : i32
    %gt3A_37 = vector.broadcast %gt3A : i32 to vector<8192x1xi32>
    %gt3A_38 = arith.cmpi sgt, %get3A_36, %gt3A_37 : vector<8192x1xi32>
    %jit3A = arith.constant -1.000000e+09 : f32
    %broadcast_in_dim3A_39 = vector.shape_cast %gt3A_38 : vector<8192x1xi1> to vector<8192x1xi1>
    %broadcast_in_dim3A_40 = vector.broadcast %broadcast_in_dim3A_39 : vector<8192x1xi1> to vector<8192x128xi1>
    %broadcast_in_dim3A_41 = vector.broadcast %jit3A : f32 to vector<8192x128xf32>
    %select_n3A = arith.select %broadcast_in_dim3A_40, %add3A_33, %broadcast_in_dim3A_41 : vector<8192x128xi1>, vector<8192x128xf32>
    %reshape3A = vector.shape_cast %select_n3A : vector<8192x128xf32> to vector<128x64x128xf32>
    %reduce_max3A = arith.constant dense<0xFF800000> : vector<128x128xf32>
    %reduce_max3A_42 = vector.multi_reduction <maximumf>, %reshape3A, %reduce_max3A [1] : vector<128x64x128xf32> to vector<128x128xf32>
    %swap3A = arith.constant 0 : index
    %swap3A_43 = arith.constant 0 : index
    %swap3A_44 = vector.load %arg9[%swap3A, %swap3A_43] : memref<128x128xf32, #tpu.memory_space<vmem>>, vector<128x128xf32>
    tpu.vector_store %arg9[%swap3A, %swap3A_43], %reduce_max3A_42 {strides = array<i32>} : memref<128x128xf32, #tpu.memory_space<vmem>>, vector<128x128xf32>,
    return
  }
  func.func @transform_0(%arg0: i32) -> (i32, i32) {
    %c0_i32 = arith.constant 0 : i32
    %c0_i32_0 = arith.constant 0 : i32
    return %arg0, %c0_i32 : i32, i32
  }
  func.func @transform_1(%arg0: i32) -> (i32, i32) {
    %c0_i32 = arith.constant 0 : i32
    %c0_i32_0 = arith.constant 0 : i32
    return %arg0, %c0_i32 : i32, i32
  }
  func.func @transform_2(%arg0: i32) -> (i32, i32) {
    %c0_i32 = arith.constant 0 : i32
    %c0_i32_0 = arith.constant 0 : i32
    %c0_i32_1 = arith.constant 0 : i32
    return %c0_i32, %c0_i32_0 : i32, i32
  }
  func.func @transform_3(%arg0: i32) -> i32 {
    %c0_i32 = arith.constant 0 : i32
    %c0_i32_0 = arith.constant 0 : i32
    return %c0_i32 : i32
  }
  func.func @transform_4(%arg0: i32) -> (i32, i32) {
    %c0_i32 = arith.constant 0 : i32
    %c0_i32_0 = arith.constant 0 : i32
    %c0_i32_1 = arith.constant 0 : i32
    return %c0_i32, %c0_i32_0 : i32, i32
  }
  func.func @transform_5(%arg0: i32) -> i32 {
    %c0_i32 = arith.constant 0 : i32
    %c0_i32_0 = arith.constant 0 : i32
    return %c0_i32 : i32
  }
  func.func @transform_6(%arg0: i32) -> (i32, i32) {
    %c0_i32 = arith.constant 0 : i32
    %c0_i32_0 = arith.constant 0 : i32
    %c0_i32_1 = arith.constant 0 : i32
    return %c0_i32, %c0_i32_0 : i32, i32
  }
  func.func @transform_7(%arg0: i32) -> i32 {
    %c0_i32 = arith.constant 0 : i32
    %c0_i32_0 = arith.constant 0 : i32
    return %c0_i32 : i32
  }
  func.func @transform_8(%arg0: i32) -> (i32, i32) {
    %c0_i32 = arith.constant 0 : i32
    %c0_i32_0 = arith.constant 0 : i32
    return %arg0, %c0_i32 : i32, i32
  }
}

</mosaic_0001>

<sc_bundles>
// kernel: kernel.5.cloned.1.call-start
scs
__scs_entry_jumppad:
0x0: {  	(pc) =	sbr.rel $0x88, $3  }
0x1: {  	(tag) =	ssettag $0x0;
	lr =	simm.s32 $0x1  }
0x2: {  	[smem:$0x3F9A] =	sst lr;
	_ =	strace $0xD0000000  }
0x3: {  	_ = 	snop  }
0x4: {  	_ = 	snop  }
0x5: {  	_ = 	snop  }
0x6: {  	_ = 	snop  }
0x7: {  	_ = 	snop  }
__scs_overlays_trampoline_lowered:
0x8: {  	[smem:$0x3FA9] =	sst s0  }
0x9: {  	[smem:$0x3FAA] =	sst s1  }
0xa: {  	[smem:$0x3FAB] =	sst s2  }
0xb: {  	[smem:$0x3FAC] =	sst s3  }
0xc: {  	[smem:$0x3FAD] =	sst s4  }
0xd: {  	[smem:$0x3FAE] =	sst s5  }
0xe: {  	[smem:$0x3FAF] =	sst s6  }
0xf: {  	[smem:$0x3FB0] =	sst s7  }
0x10: {  	[smem:$0x3FB1] =	sst s8  }
0x11: {  	[smem:$0x3FB2] =	sst s9;
	s0 =	simm.s32 @!p0 $0x0  }
0x12: {  	s1 =	sld [smem:$0x3F98];
	s0 =	simm.s32 @p0 $0x1  }
0x13: {  	[smem:$0x3FB3] =	sst s0;
	s0 =	simm.s32 @!p1 $0x0  }
0x14: {  	s2 =	sld [smem:$0x3F97];
	s0 =	simm.s32 @p1 $0x1  }
0x15: {  	[smem:$0x3FB4] =	sst s0;
	s0 =	simm.s32 @!p2 $0x0  }
0x16: {  	s3 =	sld [smem:$0x3FDB];
	s0 =	simm.s32 @p2 $0x1  }
0x17: {  	s4 =	simm.s32 $0x1BF5;
	[smem:$0x3FB6] =	sst s0  }
0x18: {  	s0 =	sld [smem:$0x3F99];
	_ =	swait.ge [sflag:s4], $0x0  }
0x19: {  	s7 =	sld [smem:$0x3F9A]  }
0x1a: {  	s8 =	sadd.s32 $0xFFFFE003, lr  }
0x1b: {  	s9 =	sadd.s32 $0xFFFFFEF7, lr;
	s5 =	simm.s32 $0xFFFFFFFF;
	p2 =	slt.u32 s8, $0xFFFFF086  }
0x1c: {  	p1 =	slt.u32 s9, $0xF7A;
	s5 =	simm.s32 @!p2 $0x0  }
0x1d: {  	s5 =	simm.s32 @p1 $0x1;
	p0 =	seq.s32 s7, s2  }
0x1e: {  	s7 =	smul.u32 @!p0 $0xF7A, s2;
	p2 =	seq.s32 @!p0 s5, $0x0  }
0x1f: {  	s9 =	smul.u32 $0xF7A, s1;
	s8 =	simm.s32 @!p0 $0x1BF5;
	p2 =	por !p2, p0  }
0x20: {  	[sflag:s8] =	ssyncset.s32 @!p0 $0xFFFFF086;
	s6 =	sadd.s32 @!p0 s3, s7;
	s7 =	simm.s32 @!p0 $0x108  }
0x21: {  	s3 =	sadd.s32 s3, s9;
	s6 =	sadd.s32 @!p0 $0x88, s6;
	s7 =	simm.s32 @p2 $0x1082  }
0x22: {  	[simem:s7], [sflag:s8] =	dma.local @!p0 [hbm:s6], $0xF7A  }
0x23: {  	s9 =	sor.u32 $0xD0000000, s2;
	s6 =	simm.s32 $0x108;
	_ =	swait.ge @!p0 [sflag:s8], $0x0  }
0x24: {  	s3 =	sadd.s32 $0x88, s3;
	s6 =	simm.s32 @!p1 $0x1082;
	[sflag:s4] =	ssyncset.s32 $0xFFFFF086  }
0x25: {  	[simem:s6], [sflag:s4] =	dma.local [hbm:s3], $0xF7A  }
0x26: {  	[smem:$0x3F9A] =	sst s1;
	(tag) =	ssettag s2;
	_ =	strace s9  }
0x27: {  	s1 =	sld [smem:$0x3FAA]  }
0x28: {  	s2 =	sld [smem:$0x3FAB]  }
0x29: {  	s4 =	sld [smem:$0x3FAD]  }
0x2a: {  	p0 =	seq.s32 s5, $0x0;
	s5 =	sld [smem:$0x3FAE]  }
0x2b: {  	s6 =	sld [smem:$0x3FAF]  }
0x2c: {  	s7 =	sld [smem:$0x3FB0]  }
0x2d: {  	s3 =	simm.s32 $0x108;
	s8 =	sld [smem:$0x3FB1]  }
0x2e: {  	s3 =	simm.s32 @!p0 $0x1082;
	s9 =	sld [smem:$0x3FB2]  }
0x2f: {  	lr =	sadd.s32 s0, s3;
	s0 =	sld [smem:$0x3FA9]  }
0x30: {  	s3 =	sld [smem:$0x3FAC]  }
0x31: {  	[smem:$0x3FB5] =	sst s10  }
0x32: {  	s10 =	sld [smem:$0x3FB3];
	_ =	sdelay $0x3  }
0x33: {  	p0 =	seq.s32 s10, $0x1;
	s10 =	sld [smem:$0x3FB5];
	_ =	sdelay $0x3  }
0x34: {  	[smem:$0x3FB5] =	sst s10  }
0x35: {  	s10 =	sld [smem:$0x3FB4];
	_ =	sdelay $0x3  }
0x36: {  	p1 =	seq.s32 s10, $0x1;
	s10 =	sld [smem:$0x3FB5];
	_ =	sdelay $0x3  }
0x37: {  	[smem:$0x3FB5] =	sst s10  }
0x38: {  	s10 =	sld [smem:$0x3FB6]  }
0x39: {  	_ = 	snop;
	(pc) =	sbr.ind lr, $3  }
0x3a: {  	_ = 	snop  }
0x3b: {  	_ = 	snop  }
0x3c: {  	p2 =	seq.s32 s10, $0x1;
	s10 =	sld [smem:$0x3FB5]  }
0x3d: {  	_ =	shalt  }
0x3e: {  	_ =	shalt  }
0x3f: {  	_ =	shalt  }
0x40: {  	_ =	shalt  }
0x41: {  	_ =	shalt  }
0x42: {  	_ =	shalt  }
0x43: {  	_ =	shalt  }
0x44: {  	_ =	shalt  }
0x45: {  	_ =	shalt  }
0x46: {  	_ =	shalt  }
0x47: {  	_ =	shalt  }
0x48: {  	_ =	shalt  }
0x49: {  	_ =	shalt  }
0x4a: {  	_ =	shalt  }
0x4b: {  	_ =	shalt  }
0x4c: {  	_ =	shalt  }
0x4d: {  	_ =	shalt  }
0x4e: {  	_ =	shalt  }
0x4f: {  	_ =	shalt  }
0x50: {  	_ =	shalt  }
0x51: {  	_ =	shalt  }
0x52: {  	_ =	shalt  }
0x53: {  	_ =	shalt  }
0x54: {  	_ =	shalt  }
0x55: {  	_ =	shalt  }
0x56: {  	_ =	shalt  }
0x57: {  	_ =	shalt  }
0x58: {  	_ =	shalt  }
0x59: {  	_ =	shalt  }
0x5a: {  	_ =	shalt  }
0x5b: {  	_ =	shalt  }
0x5c: {  	_ =	shalt  }
0x5d: {  	_ =	shalt  }
0x5e: {  	_ =	shalt  }
0x5f: {  	_ =	shalt  }
0x60: {  	_ =	shalt  }
0x61: {  	_ =	shalt  }
0x62: {  	_ =	shalt  }
0x63: {  	_ =	shalt  }
0x64: {  	_ =	shalt  }
0x65: {  	_ =	shalt  }
0x66: {  	_ =	shalt  }
0x67: {  	_ =	shalt  }
0x68: {  	_ =	shalt  }
0x69: {  	_ =	shalt  }
0x6a: {  	_ =	shalt  }
0x6b: {  	_ =	shalt  }
0x6c: {  	_ =	shalt  }
0x6d: {  	_ =	shalt  }
0x6e: {  	_ =	shalt  }
0x6f: {  	_ =	shalt  }
0x70: {  	_ =	shalt  }
0x71: {  	_ =	shalt  }
0x72: {  	_ =	shalt  }
0x73: {  	_ =	shalt  }
0x74: {  	_ =	shalt  }
0x75: {  	_ =	shalt  }
0x76: {  	_ =	shalt  }
0x77: {  	_ =	shalt  }
0x78: {  	_ =	shalt  }
0x79: {  	_ =	shalt  }
0x7a: {  	_ =	shalt  }
0x7b: {  	_ =	shalt  }
0x7c: {  	_ =	shalt  }
0x7d: {  	_ =	shalt  }
0x7e: {  	_ =	shalt  }
0x7f: {  	_ =	shalt  }
0x80: {  	_ =	shalt  }
0x81: {  	_ =	shalt  }
0x82: {  	_ =	shalt  }
0x83: {  	_ =	shalt  }
0x84: {  	_ =	shalt  }
0x85: {  	_ =	shalt  }
0x86: {  	_ =	shalt  }
0x87: {  	_ =	shalt  }
.Lfunc_end0:
.L_simem_size_0:
called_computation_lowered:
.L_overlay_start_0:
0x88: {  	s2 =	sld [smem:$0x3FD9]  }
0x89: {  	s3 =	sld [smem:$0x3FFE];
	_ =	sdelay $0x1  }
0x8a: {  	s1 =	srdreg.scid  }
0x8b: {  	s0 =	sand.u32 $0x1, s1  }
0x8c: {  	s17 =	sshll.u32 s0, $0xA;
	s2 =	sadd.s32 s3, s2  }
0x8d: {  	s2 =	sadd.s32 s2, s17  }
0x8e: {  	[smem:$0x3FC1] =	sst s2  }
0x8f: {  	_ = 	snop  }
0x90: {  	s2 =	sld [smem:$0x3FD0];
	(tm) =	ssettm $0x1  }
0x91: {  	s18 =	sld [smem:$0x3FFB];
	_ =	sdelay $0x3  }
0x92: {  	_ =	strace s18  }
0x93: {  	s3 =	sld [smem:$0x3FFC];
	_ =	sdelay $0x3  }
0x94: {  	_ =	strace s3  }
0x95: {  	s3 =	sld [smem:$0x3FFD];
	_ =	sdelay $0x3  }
0x96: {  	_ =	strace s3  }
0x97: {  	_ =	strace $0x8FFFFFFF  }
0x98: {  	s19 =	sld [smem:$0x3FDB];
	_ =	sdelay $0x1  }
0x99: {  	s4 =	simm.s32 $_scs_section_size  }
0x9a: {  	s5 =	simm.s32 $_size__tile_overlayer_lowered;
	s6 =	simm.s32 $_tile_overlayer_lowered  }
0x9b: {  	s22 =	simm.s32 $0x1BFF;
	s21 =	sshll.u32 s6, $0x1;
	s3 =	sadd.s32 s4, s19  }
0x9c: {  	s7 =	simm.s32 $0x0;
	s20 =	sshll.u32 s5, $0x1;
	s5 =	sadd.s32 s21, s3  }
0x9d: {  	[timem:s7], [sflag:s22] =	dma.local [hbm:s5], s20  }
0x9e: {  	_ =	swait.ge [sflag:s22], s20  }
0x9f: {  	s4 =	ssub.s32 $0x0, s20;
	[sflag:s22] =	ssyncset.done $0x0  }
0xa0: {  	[sflag:s22] =	ssyncadd.s32 s4;
	_ =	sdelay $0x1  }
0xa1: {  	s23 =	simm.s32 $0x1B8B  }
0xa2: {  	_ =	swait.ge [sflag:s23], $0x1  }
0xa3: {  	[sflag:s23] =	ssyncset.done $0x0  }
0xa4: {  	s25 =	simm.s32 $0x1B8E;
	s24 =	sld [smem:$0x3FFE];
	[sflag:s23] =	ssyncadd.s32 $0xFFFFFFFF  }
0xa5: {  	s26 =	simm.s32 $execute0_lowered;
	[smem:$0x3FD2] =	sst s25  }
0xa6: {  	s5 =	sshll.u32 s26, $0x1;
	_ =	strace $0x80000046;
	[dreg:$0x1] =	wrdreg $0xFFFFFFFF  }
0xa7: {  	s28 =	simm.s32 $_size_execute0_lowered;
	s3 =	sadd.s32 s3, s5;
	[dreg:$0x0] =	wrdreg $0x0  }
0xa8: {  	s5 =	sshll.u32 s28, $0x1;
	[dreg:$0x2] =	wrdreg s3  }
0xa9: {  	[dreg:$0x3] =	wrdreg s5  }
0xaa: {  	[dreg:$0x4] =	wrdreg $0xC0  }
0xab: {  	_ =	task [dreg:s7], $0x5FFFF  }
0xac: {  	[dreg:$0x1] =	wrdreg $0xFFFFFFFF  }
0xad: {  	[dreg:$0x0] =	wrdreg $0x60  }
0xae: {  	[dreg:$0x2] =	wrdreg s24  }
0xaf: {  	[dreg:$0x3] =	wrdreg s2  }
0xb0: {  	[dreg:$0x4] =	wrdreg $0x9  }
0xb1: {  	_ =	task.clear_ibuf [dreg:s7], $0x5FFFF;
	_ =	strace $0x90000046  }
0xb2: {  	s29 =	simm.s32 $0x9;
	_ =	strace $0x80000048  }
0xb3: {  	_ =	swait.ge [sflag:s29], $0x1  }
0xb4: {  	[sflag:s29] =	ssyncadd.s32 $0xFFFFFFFF  }
0xb5: {  	_ =	strace $0x90000048  }
0xb6: {  	_ =	sfence  }
0xb7: {  	s30 =	sld [smem:$0x0];
	_ =	sdelay $0x2  }
0xb8: {  	s31 =	sshll.u32 s1, $0xD;
	s1 =	sshrl.u32 s1, $0x2  }
0xb9: {  	s3 =	sand.u32 $0x4000, s31;
	s1 =	sadd.s32 s1, s30  }
0xba: {  	s0 =	sor.u32 s3, s0;
	s1 =	sshll.u32 s1, $0x11  }
0xbb: {  	s0 =	sor.u32 s1, s0  }
0xbc: {  	s0 =	sadd.s32 $0x8F2B, s0  }
0xbd: {  	[sflag:s0] =	ssyncadd.remote.s32 $0x1  }
0xbe: {  	_ =	sfence.sel $0xFFFF  }
0xbf: {  	[dreg:$0x0] =	wrdreg $0xFFFFFFFF;
	(pc) =	sbr.abs _section_cstart, $3  }
0xc0: {  	[dreg:$0x1] =	wrdreg $0xFFFFFFFF  }
0xc1: {  	_ =	task.clear_ibuf [dreg:s7], $0x2FFFF;
	_ =	strace $0x9FFFFFFF  }
0xc2: {  	(tm) =	ssettm $0x7FFFFFFF  }
0xc3: {  	_ =	shalt  }
tec
execute0_lowered:
.L_overlay_start_1:
0x0: {  	(tag) =	ssettag $0x1  }
0x1: {  	s0 =	rddreg [dreg:$0x0]  }
0x2: {  	s2 =	rddreg [dreg:$0x1];
	s1 =	simm.s32 $0x0  }
0x3: {  	s20 =	srdreg.scid;
	[smem:$0x7FF] =	sst s1;
	s3 =	sadd.s32 $0x1C00, s0  }
0x4: {  	s17 =	sadd.s32 $0x2C00, s0;
	_ =	strace $0x80000047;
	[dreg:$0x3] =	wrdreg s3  }
0x5: {  	s4 =	stileid.u32;
	s18 =	sadd.s32 $0x2400, s0;
	[dreg:$0x4] =	wrdreg s17  }
0x6: {  	s31 =	simm.s32 $0x1C800;
	s19 =	sadd.s32 $0x4400, s0;
	[dreg:$0x5] =	wrdreg s18  }
0x7: {  	s29 =	simm.s32 $0x0;
	s5 =	sadd.s32 $0x3400, s0;
	[dreg:$0x6] =	wrdreg s19  }
0x8: {  	s4 =	sshll.u32 s4, $0x1;
	s21 =	sadd.s32 $0x3C00, s0;
	[dreg:$0x7] =	wrdreg s5  }
0x9: {  	s22 =	sadd.s32 $0x1400, s0;
	s3 =	sand.u32 $0x1, s20;
	[dreg:$0x8] =	wrdreg s21  }
0xa: {  	[dreg:$0x9] =	wrdreg s22;
	s19 =	simm.s32 $0x1;
	s20 =	simm.s32 $0x4000  }
0xb: {  	s21 =	simm.s32 $0x8000;
	s22 =	simm.s32 $0xC000;
	s4 =	sor.u32 s3, s4  }
0xc: {  	s3 =	ssub.s32 $0x2, s3;
	s23 =	sshll.u32 s4, $0x8;
	s4 =	sshll.u32 s4, $0x6  }
0xd: {  	s24 =	sshrl.u32 s3, $0x1;
	s6 =	sadd.s32 s23, s0;
	s0 =	sadd.s32 s4, s0  }
0xe: {  	s3 =	ssub.s32 s3, s24;
	s14 =	sadd.s32 s2, s23;
	s23 =	simm.s32 $0x10000  }
0xf: {  	s24 =	simm.s32 $0x14000;
	s25 =	sadd.s32 $0x5400, s0;
	s26 =	sadd.s32 $0x5C00, s0  }
.Ltmp0:
0x10: {  	s28 =	sadd.s32 $0x6400, s0;
	s30 =	sadd.s32 $0x4C00, s0;
	(pc) =	sbr.rel .LBB2_1-.Ltmp0, $4  }
0x11: {  	s15 =	sadd.s32 $0x7400, s6;
	s16 =	sadd.s32 $0x9400, s6;
	[dreg:$0xa] =	wrdreg s25  }
0x12: {  	s17 =	sadd.s32 $0x6C00, s0;
	s18 =	smax.u32 s3, $0x1;
	[dreg:$0xb] =	wrdreg s26  }
0x13: {  	v0 =	vimm.s32 $0x0;
	s0 =	simm.s32 $0x1D200;
	s3 =	simm.s32 $0x1DA00;
	[dreg:$0xc] =	wrdreg s28  }
0x14: {  	v1 =	vlaneseq.u32;
	v2 =	vimm.f32 $0.0e+00;
	vm0 =	vmxor vm0, vm0;
	[dreg:$0xd] =	wrdreg s30;
	s25 =	simm.s32 $0x18000;
	s26 =	simm.s32 $0x1E200  }
.LBB2_23:
0x15: {  	[hbm4b:s14+s1] =	stream.linear.scatter [tilespmem:s0], [sflag:$0x1], $0x800, $0x38;
	[tilespmem:$0x1EC00] =	vst v63  }
0x16: {  	_ =	swait.ge [sflag:s19], $0x800  }
0x17: {  	[sflag:s19] =	ssyncset.done $0x0  }
0x18: {  	[sflag:s19] =	ssyncadd.s32 $0xFFFFF800  }
0x19: {  	[hbm4b:s15+s1] =	stream.linear.scatter [tilespmem:s3], [sflag:$0x1], $0x800, $0x38;
	[tilespmem:$0x1EC00] =	vst v63  }
0x1a: {  	_ =	swait.ge [sflag:s19], $0x800  }
0x1b: {  	[sflag:s19] =	ssyncset.done $0x0  }
0x1c: {  	[sflag:s19] =	ssyncadd.s32 $0xFFFFF800  }
0x1d: {  	[hbm4b:s16+s1] =	stream.linear.scatter [tilespmem:s26], [sflag:$0x1], $0x800, $0x38;
	[tilespmem:$0x1EC00] =	vst v63  }
0x1e: {  	s29 =	sadd.s32 $0x1, s29;
	_ =	swait.ge [sflag:s19], $0x800  }
0x1f: {  	p0 =	sne.s32 s29, s18;
	[sflag:s19] =	ssyncset.done $0x0  }
.Ltmp1:
0x20: {  	s2 =	simm.s32 $0x1EA00;
	[sflag:s19] =	ssyncadd.s32 $0xFFFFF800;
	(pc) =	sbr.rel @!p0 .LBB2_24-.Ltmp1, $4  }
0x21: {  	[hbm4b:s17+s1] =	stream.linear.scatter [tilespmem:s2], [sflag:$0x1], $0x200, $0x38;
	[tilespmem:$0x1EC00] =	vst v63  }
0x22: {  	_ =	swait.ge [sflag:s19], $0x200  }
0x23: {  	[sflag:s19] =	ssyncset.done $0x0  }
0x24: {  	[sflag:s19] =	ssyncadd.s32 $0xFFFFFE00  }
.LBB2_1:
0x25: {  	s2 =	rddreg [dreg:$0x3]  }
0x26: {  	[tilespmem:s1], [sflag:$0x1] =	stream.linear.gather [hbm4b:s2+s1], $0x4000, $0x38;
	[tilespmem:$0x1EC00] =	vst v63  }
0x27: {  	_ =	swait.ge [sflag:s19], $0x4000  }
0x28: {  	[sflag:s19] =	ssyncset.done $0x0  }
0x29: {  	s13 =	rddreg [dreg:$0x4];
	[sflag:s19] =	ssyncadd.s32 $0xFFFFC000  }
0x2a: {  	[tilespmem:s20], [sflag:$0x1] =	stream.linear.gather [hbm4b:s13+s1], $0x4000, $0x38;
	[tilespmem:$0x1EC00] =	vst v63  }
0x2b: {  	_ =	swait.ge [sflag:s19], $0x4000  }
0x2c: {  	[sflag:s19] =	ssyncset.done $0x0  }
0x2d: {  	s28 =	rddreg [dreg:$0x5];
	[sflag:s19] =	ssyncadd.s32 $0xFFFFC000  }
0x2e: {  	[tilespmem:s21], [sflag:$0x1] =	stream.linear.gather [hbm4b:s28+s1], $0x4000, $0x38;
	[tilespmem:$0x1EC00] =	vst v63  }
0x2f: {  	_ =	swait.ge [sflag:s19], $0x4000  }
0x30: {  	[sflag:s19] =	ssyncset.done $0x0  }
0x31: {  	s4 =	rddreg [dreg:$0x6];
	[sflag:s19] =	ssyncadd.s32 $0xFFFFC000  }
0x32: {  	[tilespmem:s22], [sflag:$0x1] =	stream.linear.gather [hbm4b:s4+s1], $0x4000, $0x38;
	[tilespmem:$0x1EC00] =	vst v63  }
0x33: {  	_ =	swait.ge [sflag:s19], $0x4000  }
0x34: {  	[sflag:s19] =	ssyncset.done $0x0  }
0x35: {  	s5 =	rddreg [dreg:$0x7];
	[sflag:s19] =	ssyncadd.s32 $0xFFFFC000  }
0x36: {  	[tilespmem:s23], [sflag:$0x1] =	stream.linear.gather [hbm4b:s5+s1], $0x4000, $0x38;
	[tilespmem:$0x1EC00] =	vst v63  }
0x37: {  	_ =	swait.ge [sflag:s19], $0x4000  }
0x38: {  	[sflag:s19] =	ssyncset.done $0x0  }
0x39: {  	s6 =	rddreg [dreg:$0x8];
	[sflag:s19] =	ssyncadd.s32 $0xFFFFC000  }
0x3a: {  	[tilespmem:s24], [sflag:$0x1] =	stream.linear.gather [hbm4b:s6+s1], $0x4000, $0x38;
	[tilespmem:$0x1EC00] =	vst v63  }
0x3b: {  	_ =	swait.ge [sflag:s19], $0x4000  }
0x3c: {  	[sflag:s19] =	ssyncset.done $0x0  }
0x3d: {  	s7 =	rddreg [dreg:$0x9];
	[sflag:s19] =	ssyncadd.s32 $0xFFFFC000  }
0x3e: {  	[tilespmem:s25], [sflag:$0x1] =	stream.linear.gather [hbm4b:s7+s1], $0x4000, $0x38;
	[tilespmem:$0x1EC00] =	vst v63  }
0x3f: {  	_ =	swait.ge [sflag:s19], $0x4000  }
0x40: {  	[sflag:s19] =	ssyncset.done $0x0  }
0x41: {  	s4 =	simm.s32 $0x1C000;
	s8 =	rddreg [dreg:$0xa];
	[sflag:s19] =	ssyncadd.s32 $0xFFFFC000  }
0x42: {  	[tilespmem:s4], [sflag:$0x1] =	stream.linear.gather [hbm4b:s8+s1], $0x200, $0x38;
	[tilespmem:$0x1EC00] =	vst v63  }
0x43: {  	_ =	swait.ge [sflag:s19], $0x200  }
0x44: {  	[sflag:s19] =	ssyncset.done $0x0  }
0x45: {  	s10 =	simm.s32 $0x1C200;
	s9 =	rddreg [dreg:$0xb];
	[sflag:s19] =	ssyncadd.s32 $0xFFFFFE00  }
0x46: {  	[tilespmem:s10], [sflag:$0x1] =	stream.linear.gather [hbm4b:s9+s1], $0x200, $0x38;
	[tilespmem:$0x1EC00] =	vst v63  }
0x47: {  	_ =	swait.ge [sflag:s19], $0x200  }
0x48: {  	[sflag:s19] =	ssyncset.done $0x0  }
0x49: {  	s12 =	simm.s32 $0x1C400;
	s11 =	rddreg [dreg:$0xc];
	[sflag:s19] =	ssyncadd.s32 $0xFFFFFE00  }
0x4a: {  	[tilespmem:s12], [sflag:$0x1] =	stream.linear.gather [hbm4b:s11+s1], $0x200, $0x38;
	[tilespmem:$0x1EC00] =	vst v63  }
0x4b: {  	_ =	swait.ge [sflag:s19], $0x200  }
0x4c: {  	s28 =	simm.s32 $0x1C600;
	[sflag:s19] =	ssyncset.done $0x0  }
.Ltmp2:
0x4d: {  	s13 =	rddreg [dreg:$0xd];
	[sflag:s19] =	ssyncadd.s32 $0xFFFFFE00;
	(pc) =	sbr.rel .LBB2_2-.Ltmp2, $4  }
0x4e: {  	[tilespmem:s28], [sflag:$0x1] =	stream.linear.gather [hbm4b:s13+s1], $0x200, $0x38;
	[tilespmem:$0x1EC00] =	vst v63  }
0x4f: {  	_ =	swait.ge [sflag:s19], $0x200  }
0x50: {  	[sflag:s19] =	ssyncset.done $0x0  }
0x51: {  	s30 =	simm.s32 $0x0;
	[sflag:s19] =	ssyncadd.s32 $0xFFFFFE00  }
.LBB2_17:
0x52: {  	s8 =	simm.s32 $0x0  }
.LBB2_21:
0x53: {  	s4 =	sadd.s32 @p0 $0x10, s8  }
0x54: {  	s2 =	smov.u32 @p0 s4  }
0x55: {  	v10 =	vor.u32 s2, v1  }
0x56: {  	vm2 =	vle.f32 v9, v3;
	vm1 =	vlt.s32 v10, v7  }
0x57: {  	vm1 =	vmand vm1, vm2  }
0x58: {  	v3 =	vsel vm1, $0x1, v0  }
0x59: {  	(xrf0) =	vadd.scan.msk.s32 $0xffff, v3;
	_ =	sdelay $0x5  }
0x5a: {  	v3, _, _ =	vpop (xrf0)  }
0x5b: {  	v3 =	vadd.s32 v3, v5  }
0x5c: {  	v3 =	vadd.s32 $0xFFFFFFFF, v3  }
0x5d: {  	vm2 =	vlt.s32 v3, $0x40  }
0x5e: {  	vm1 =	vmand vm1, vm2  }
0x5f: {  	v5 =	vld [tilespmem:s5+$0x0];
	v3 =	vadd.s32 v4, v3;
	_ =	sdelay $0x4  }
0x60: {  	[tilespmem:v3+s0+$0x0] =	vst.idx.msk vm1, v5  }
0x61: {  	[tilespmem:v3+s3+$0x0] =	vst.idx.msk vm1, v8  }
0x62: {  	[tilespmem:v3+s26+$0x0] =	vst.idx.msk vm1, v6  }
.LBB2_22:
0x63: {  	s30 =	sadd.s32 $0x1, s30  }
0x64: {  	p0 =	sne.s32 s30, $0x20  }
.Ltmp3:
0x65: {  	_ = 	snop;
	(pc) =	sbr.rel @!p0 .LBB2_23-.Ltmp3, $4  }
0x66: {  	_ = 	snop  }
0x67: {  	vm1 =	vlt.s32 v7, $0x40  }
0x68: {  	v3 =	vnsel vm1, $0x40, v7  }
0x69: {  	[tilespmem:s28+$0x1EA00] =	vst v3  }
.LBB2_2:
0x6a: {  	s28 =	sshll.u32 s30, $0x4  }
0x6b: {  	v3 =	vld [tilespmem:s28+$0x1C000]  }
0x6c: {  	s2 =	simm.s32 $0xC020;
	v4 =	vld [tilespmem:s28+$0x1C200]  }
0x6d: {  	s4 =	simm.s32 $0x10020;
	v6 =	vld [tilespmem:s2+$0xFFFFFFE0]  }
0x6e: {  	v7 =	vld [tilespmem:s4+$0xFFFFFFE0]  }
0x6f: {  	s5 =	simm.s32 $0x14020;
	v5 =	vld [tilespmem:s28+$0x1C400]  }
0x70: {  	v8 =	vld [tilespmem:s5+$0xFFFFFFE0];
	_ =	sdelay $0x2  }
0x71: {  	v6 =	vmul.f32 v6, v3;
	v7 =	vmul.f32 v7, v4  }
0x72: {  	v9 =	vld [tilespmem:s2+$0xFFFFFFF0]  }
0x73: {  	v10 =	vld [tilespmem:s4+$0xFFFFFFF0];
	v8 =	vmul.f32 v8, v5;
	v7 =	vadd.f32 v7, v6  }
0x74: {  	v6 =	vld [tilespmem:s28+$0x1C600]  }
0x75: {  	s7 =	simm.s32 $0x18020;
	v7 =	vadd.f32 v8, v7;
	v8 =	vld [tilespmem:s5+$0xFFFFFFF0]  }
0x76: {  	v11 =	vld [tilespmem:s7+$0xFFFFFFE0]  }
0x77: {  	v7 =	vadd.f32 v7, v7  }
0x78: {  	v9 =	vmul.f32 v9, v3;
	v10 =	vmul.f32 v10, v4  }
0x79: {  	v12 =	vld [tilespmem:s2+$0x0];
	v7 =	vsub.f32 v6, v7  }
0x7a: {  	v9 =	vadd.f32 v10, v9;
	v10 =	vld [tilespmem:s4+$0x0];
	v8 =	vmul.f32 v8, v5  }
0x7b: {  	v7 =	vadd.f32 v7, v11  }
0x7c: {  	v8 =	vadd.f32 v8, v9;
	v9 =	vld [tilespmem:s5+$0x0]  }
0x7d: {  	v11 =	vld [tilespmem:s7+$0xFFFFFFF0];
	v7 =	vand.u32 $0x7FFFFFFF, v7  }
0x7e: {  	vm1 =	vle.f32 v7, $4.000000280e-02;
	v7 =	vadd.f32 v8, v8  }
0x7f: {  	v10 =	vmul.f32 v10, v4;
	v8 =	vmul.f32 v12, v3;
	v12 =	vsel vm1, $0x1, v0  }
0x80: {  	v13 =	vld [tilespmem:s2+$0x10];
	v7 =	vsub.f32 v6, v7;
	(xrf0) =	vadd.scan.msk.s32 $0xffff, v12  }
0x81: {  	v8 =	vadd.f32 v10, v8;
	v10 =	vld [tilespmem:s4+$0x10];
	v9 =	vmul.f32 v9, v5  }
0x82: {  	v7 =	vadd.f32 v7, v11  }
0x83: {  	v8 =	vadd.f32 v9, v8;
	v9 =	vld [tilespmem:s5+$0x10]  }
0x84: {  	v11 =	vld [tilespmem:s7+$0x0];
	v7 =	vand.u32 $0x7FFFFFFF, v7  }
0x85: {  	v12 =	vimm.s32 $0x0;
	vm2 =	vle.f32 v7, $4.000000280e-02;
	v7 =	vadd.f32 v8, v8  }
0x86: {  	s2 =	simm.s32 $0xC060;
	v8 =	vmul.f32 v13, v3;
	v10 =	vmul.f32 v10, v4;
	v13 =	vsel vm2, $0x1, v0;
	v14, _, _ =	vpop (xrf0)  }
0x87: {  	v15 =	vld [tilespmem:s2+$0xFFFFFFE0];
	s5 =	simm.s32 $0x10060;
	v14 =	vadd.s32 v14, v12;
	v7 =	vsub.f32 v6, v7;
	(xrf0) =	vadd.scan.msk.s32 $0xffff, v13  }
0x88: {  	v13 =	vld [tilespmem:s5+$0xFFFFFFE0];
	v8 =	vadd.f32 v10, v8;
	v14 =	vadd.s32 $0xFFFFFFFF, v14;
	v9 =	vmul.f32 v9, v5  }
0x89: {  	s6 =	simm.s32 $0x14060;
	vm3 =	vlt.s32 v14, $0x200;
	v7 =	vadd.f32 v7, v11  }
0x8a: {  	v10 =	vld [tilespmem:s6+$0xFFFFFFE0];
	vm1 =	vmand vm1, vm3;
	v8 =	vadd.f32 v9, v8  }
0x8b: {  	v11 =	vld [tilespmem:s7+$0x10];
	v9 =	vmpcnt.ones.xlane vm1;
	v7 =	vand.u32 $0x7FFFFFFF, v7  }
0x8c: {  	v15 =	vmul.f32 v15, v3;
	vm5 =	vle.f32 v7, $4.000000280e-02;
	v7 =	vadd.f32 v8, v8  }
0x8d: {  	v8 =	vmul.f32 v13, v4;
	v9 =	vadd.s32 v12, v9;
	v12 =	vsel vm5, $0x1, v0;
	v13, _, _ =	vpop (xrf0)  }
0x8e: {  	v16 =	vld [tilespmem:s2+$0xFFFFFFF0];
	v13 =	vadd.s32 v13, v9;
	v7 =	vsub.f32 v6, v7;
	(xrf0) =	vadd.scan.msk.s32 $0xffff, v12  }
0x8f: {  	v10 =	vmul.f32 v10, v5;
	v8 =	vadd.f32 v8, v15;
	v12 =	vld [tilespmem:s5+$0xFFFFFFF0];
	v13 =	vadd.s32 $0xFFFFFFFF, v13  }
0x90: {  	vm3 =	vlt.s32 v13, $0x200;
	v7 =	vadd.f32 v7, v11  }
0x91: {  	v8 =	vadd.f32 v10, v8;
	vm3 =	vmand vm2, vm3  }
0x92: {  	s7 =	simm.s32 $0x18060;
	v10 =	vld [tilespmem:s6+$0xFFFFFFF0];
	v11 =	vmpcnt.ones.xlane vm3;
	v7 =	vand.u32 $0x7FFFFFFF, v7  }
0x93: {  	v16 =	vmul.f32 v16, v3;
	v15 =	vld [tilespmem:s7+$0xFFFFFFE0];
	v8 =	vadd.f32 v8, v8;
	vm4 =	vle.f32 v7, $4.000000280e-02  }
0x94: {  	v7 =	vmul.f32 v12, v4;
	v9 =	vadd.s32 v9, v11;
	v11 =	vsel vm4, $0x1, v0;
	v12, _, _ =	vpop (xrf0)  }
0x95: {  	v17 =	vld [tilespmem:s2+$0x0];
	v12 =	vadd.s32 v12, v9;
	(xrf0) =	vadd.scan.msk.s32 $0xffff, v11  }
0x96: {  	v8 =	vsub.f32 v6, v8;
	v7 =	vadd.f32 v7, v16;
	v16 =	vadd.s32 $0xFFFFFFFF, v12  }
0x97: {  	v10 =	vmul.f32 v10, v5;
	v11 =	vld [tilespmem:s5+$0x0];
	vm2 =	vlt.s32 v16, $0x200  }
0x98: {  	v8 =	vadd.f32 v8, v15;
	vm5 =	vmand vm5, vm2  }
0x99: {  	v12 =	vld [tilespmem:s6+$0x0];
	v7 =	vadd.f32 v10, v7;
	v10 =	vmpcnt.ones.xlane vm5  }
0x9a: {  	v17 =	vmul.f32 v17, v3;
	v18 =	vld [tilespmem:s7+$0xFFFFFFF0];
	v8 =	vand.u32 $0x7FFFFFFF, v8  }
0x9b: {  	v20 =	vadd.f32 v7, v7;
	vm2 =	vle.f32 v8, $4.000000280e-02;
	v7 =	vadd.s32 v9, v10;
	v9, _, _ =	vpop (xrf0)  }
0x9c: {  	s4 =	simm.s32 $0x0;
	v11 =	vmul.f32 v11, v4;
	v8 =	vadd.s32 v9, v7;
	v9 =	vsel vm2, $0x1, v0  }
0x9d: {  	v15 =	vor.u32 s4, v1;
	v20 =	vsub.f32 v6, v20;
	v10 =	vld [tilespmem:s2+$0x10];
	(xrf0) =	vadd.scan.msk.s32 $0xffff, v9  }
0x9e: {  	s8 =	simm.s32 $0x10;
	[tilespmem:v14+s31+$0x0] =	vst.idx.msk vm1, v15;
	v14 =	vmul.f32 v12, v5;
	v12 =	vld [tilespmem:s5+$0x10];
	v11 =	vadd.f32 v11, v17;
	v8 =	vadd.s32 $0xFFFFFFFF, v8  }
0x9f: {  	s13 =	simm.s32 $0x20;
	v19 =	vor.u32 s8, v1;
	v15 =	vadd.f32 v20, v18;
	vm1 =	vlt.s32 v8, $0x200  }
0xa0: {  	[tilespmem:v13+s31+$0x0] =	vst.idx.msk vm3, v19;
	v13 =	vor.u32 s13, v1;
	v9 =	vld [tilespmem:s6+$0x10];
	v14 =	vadd.f32 v14, v11;
	vm1 =	vmand vm4, vm1  }
0xa1: {  	s8 =	simm.s32 $0x4;
	[tilespmem:v16+s31+$0x0] =	vst.idx.msk vm5, v13;
	v11 =	vld [tilespmem:s7+$0x0];
	v15 =	vand.u32 $0x7FFFFFFF, v15;
	v13 =	vmpcnt.ones.xlane vm1  }
.LBB2_3:
0xa2: {  	s8 =	sadd.s32 $0x4, s8;
	vm3 =	vle.f32 v15, $4.000000280e-02;
	v14 =	vadd.f32 v14, v14;
	v10 =	vmul.f32 v10, v3  }
0xa3: {  	s2 =	sadd.s32 $0x40, s2;
	s9 =	sadd.s32 $0x30, s4;
	p0 =	slt.u32 s8, $0x3FC;
	v15 =	vsel vm3, $0x1, v0;
	v12 =	vmul.f32 v12, v4;
	v16, _, _ =	vpop (xrf0);
	v7 =	vadd.s32 v7, v13  }
0xa4: {  	s5 =	sadd.s32 $0x40, s5;
	v13 =	vld [tilespmem:s2+$0xFFFFFFE0];
	v16 =	vadd.s32 v16, v7;
	v14 =	vsub.f32 v6, v14;
	(xrf0) =	vadd.scan.msk.s32 $0xffff, v15;
	v15 =	vor.u32 s9, v1  }
0xa5: {  	v17 =	vld [tilespmem:s5+$0xFFFFFFE0];
	v16 =	vadd.s32 $0xFFFFFFFF, v16;
	v10 =	vadd.f32 v12, v10;
	v9 =	vmul.f32 v9, v5  }
0xa6: {  	s6 =	sadd.s32 $0x40, s6;
	vm4 =	vlt.s32 v16, $0x200;
	v11 =	vadd.f32 v14, v11;
	[tilespmem:v8+s31+$0x0] =	vst.idx.msk vm1, v15  }
0xa7: {  	v8 =	vld [tilespmem:s6+$0xFFFFFFE0];
	vm2 =	vmand vm2, vm4;
	v9 =	vadd.f32 v9, v10  }
0xa8: {  	v10 =	vmpcnt.ones.xlane vm2;
	v11 =	vand.u32 $0x7FFFFFFF, v11;
	v12 =	vld [tilespmem:s7+$0x10]  }
0xa9: {  	v13 =	vmul.f32 v13, v3;
	vm1 =	vle.f32 v11, $4.000000280e-02;
	v9 =	vadd.f32 v9, v9  }
0xaa: {  	s4 =	sadd.s32 $0x40, s4;
	v11 =	vmul.f32 v17, v4;
	v7 =	vadd.s32 v7, v10;
	v10 =	vsel vm1, $0x1, v0;
	v14, _, _ =	vpop (xrf0)  }
0xab: {  	v17 =	vor.u32 s4, v1;
	v15 =	vld [tilespmem:s2+$0xFFFFFFF0];
	v14 =	vadd.s32 v14, v7;
	v9 =	vsub.f32 v6, v9;
	(xrf0) =	vadd.scan.msk.s32 $0xffff, v10  }
0xac: {  	v10 =	vadd.f32 v11, v13;
	v8 =	vmul.f32 v8, v5;
	v11 =	vld [tilespmem:s5+$0xFFFFFFF0];
	v13 =	vadd.s32 $0xFFFFFFFF, v14  }
0xad: {  	[tilespmem:v16+s31+$0x0] =	vst.idx.msk vm2, v17;
	vm2 =	vlt.s32 v13, $0x200;
	v9 =	vadd.f32 v9, v12  }
0xae: {  	s7 =	sadd.s32 $0x40, s7;
	v8 =	vadd.f32 v8, v10;
	v10 =	vld [tilespmem:s6+$0xFFFFFFF0];
	vm2 =	vmand vm3, vm2  }
0xaf: {  	v12 =	vld [tilespmem:s7+$0xFFFFFFE0];
	v16 =	vmpcnt.ones.xlane vm2;
	v9 =	vand.u32 $0x7FFFFFFF, v9  }
0xb0: {  	v8 =	vadd.f32 v8, v8;
	v15 =	vmul.f32 v15, v3;
	vm3 =	vle.f32 v9, $4.000000280e-02  }
0xb1: {  	s9 =	sadd.s32 $0x10, s4;
	v9 =	vmul.f32 v11, v4;
	v7 =	vadd.s32 v7, v16;
	v11 =	vsel vm3, $0x1, v0;
	v14, _, _ =	vpop (xrf0)  }
0xb2: {  	v17 =	vor.u32 s9, v1;
	v8 =	vsub.f32 v6, v8;
	v16 =	vld [tilespmem:s2+$0x0];
	v14 =	vadd.s32 v14, v7;
	(xrf0) =	vadd.scan.msk.s32 $0xffff, v11  }
0xb3: {  	v9 =	vadd.f32 v9, v15;
	v10 =	vmul.f32 v10, v5;
	v11 =	vld [tilespmem:s5+$0x0];
	v14 =	vadd.s32 $0xFFFFFFFF, v14  }
0xb4: {  	v8 =	vadd.f32 v8, v12;
	[tilespmem:v13+s31+$0x0] =	vst.idx.msk vm2, v17;
	vm2 =	vlt.s32 v14, $0x200  }
0xb5: {  	v9 =	vadd.f32 v10, v9;
	v12 =	vld [tilespmem:s6+$0x0];
	vm1 =	vmand vm1, vm2  }
0xb6: {  	v8 =	vand.u32 $0x7FFFFFFF, v8;
	v13 =	vld [tilespmem:s7+$0xFFFFFFF0];
	v10 =	vmpcnt.ones.xlane vm1  }
0xb7: {  	vm2 =	vle.f32 v8, $4.000000280e-02;
	v8 =	vadd.f32 v9, v9;
	v9 =	vmul.f32 v16, v3  }
0xb8: {  	s9 =	sadd.s32 $0x20, s4;
	v15 =	vsel vm2, $0x1, v0;
	v11 =	vmul.f32 v11, v4;
	v7 =	vadd.s32 v7, v10;
	v16, _, _ =	vpop (xrf0)  }
.Ltmp4:
0xb9: {  	v17 =	vsub.f32 v6, v8;
	v10 =	vld [tilespmem:s2+$0x10];
	(xrf0) =	vadd.scan.msk.s32 $0xffff, v15;
	v15 =	vor.u32 s9, v1;
	v8 =	vadd.s32 v16, v7;
	(pc) =	sbr.rel @p0 .LBB2_3-.Ltmp4, $4  }
0xba: {  	v9 =	vadd.f32 v11, v9;
	v11 =	vmul.f32 v12, v5;
	v12 =	vld [tilespmem:s5+$0x10];
	v8 =	vadd.s32 $0xFFFFFFFF, v8  }
0xbb: {  	v13 =	vadd.f32 v17, v13;
	[tilespmem:v14+s31+$0x0] =	vst.idx.msk vm1, v15;
	vm1 =	vlt.s32 v8, $0x200  }
0xbc: {  	v14 =	vadd.f32 v11, v9;
	v9 =	vld [tilespmem:s6+$0x10];
	vm1 =	vmand vm3, vm1  }
0xbd: {  	v15 =	vand.u32 $0x7FFFFFFF, v13;
	v11 =	vld [tilespmem:s7+$0x0];
	v13 =	vmpcnt.ones.xlane vm1  }
0xbe: {  	vm3 =	vle.f32 v15, $4.000000280e-02;
	v14 =	vadd.f32 v14, v14;
	v10 =	vmul.f32 v10, v3  }
0xbf: {  	v15 =	vsel vm3, $0x1, v0;
	v12 =	vmul.f32 v12, v4;
	v16, _, _ =	vpop (xrf0);
	v7 =	vadd.s32 v7, v13  }
0xc0: {  	v13 =	vadd.s32 v16, v7;
	v14 =	vsub.f32 v6, v14;
	(xrf0) =	vadd.scan.msk.s32 $0xffff, v15  }
0xc1: {  	v13 =	vadd.s32 $0xFFFFFFFF, v13;
	v10 =	vadd.f32 v12, v10;
	v9 =	vmul.f32 v9, v5  }
0xc2: {  	vm4 =	vlt.s32 v13, $0x200;
	v11 =	vadd.f32 v14, v11  }
0xc3: {  	vm2 =	vmand vm2, vm4;
	v9 =	vadd.f32 v9, v10  }
0xc4: {  	v53 =	vld [tilespmem:s7+$0x10];
	v52 =	vmpcnt.ones.xlane vm2;
	v11 =	vand.u32 $0x7FFFFFFF, v11  }
0xc5: {  	vm13 =	vle.f32 v11, $4.000000280e-02;
	v9 =	vadd.f32 v9, v9  }
0xc6: {  	v7 =	vadd.s32 v7, v52;
	v54 =	vsel vm13, $0x1, v0;
	v55, _, _ =	vpop (xrf0)  }
0xc7: {  	v11 =	vadd.s32 v55, v7;
	v9 =	vsub.f32 v6, v9;
	(xrf0) =	vadd.scan.msk.s32 $0xffff, v54  }
0xc8: {  	v56 =	vadd.s32 $0xFFFFFFFF, v11  }
0xc9: {  	vm5 =	vlt.s32 v56, $0x200;
	v9 =	vadd.f32 v9, v53  }
0xca: {  	vm3 =	vmand vm3, vm5  }
0xcb: {  	v57 =	vmpcnt.ones.xlane vm3;
	v9 =	vand.u32 $0x7FFFFFFF, v9  }
0xcc: {  	vm14 =	vle.f32 v9, $4.000000280e-02  }
0xcd: {  	v7 =	vadd.s32 v7, v57;
	v9 =	vsel vm14, $0x1, v0;
	v58, _, _ =	vpop (xrf0)  }
0xce: {  	v11 =	vadd.s32 v58, v7;
	(xrf0) =	vadd.scan.msk.s32 $0xffff, v9  }
0xcf: {  	v59 =	vadd.s32 $0xFFFFFFFF, v11  }
0xd0: {  	vm6 =	vlt.s32 v59, $0x200  }
0xd1: {  	vm4 =	vmand vm13, vm6  }
0xd2: {  	v60 =	vmpcnt.ones.xlane vm4;
	_ =	sdelay $0x1  }
0xd3: {  	v7 =	vadd.s32 v7, v60;
	v61, _, _ =	vpop (xrf0)  }
0xd4: {  	v11 =	vadd.s32 v61, v7  }
0xd5: {  	v11 =	vadd.s32 $0xFFFFFFFF, v11  }
0xd6: {  	vm15 =	vlt.s32 v11, $0x200  }
0xd7: {  	vm5 =	vmand vm14, vm15  }
0xd8: {  	v62 =	vmpcnt.ones.xlane vm5;
	_ =	sdelay $0x1  }
0xd9: {  	v7 =	vadd.s32 v7, v62  }
0xda: {  	v12 =	vxor.u32 $0x80000000, v7  }
0xdb: {  	(xrf0) =	vmax.scan.msk.u32 $0xffff, v12;
	_ =	sdelay $0x5  }
0xdc: {  	v12, _, _ =	vpop (xrf0)  }
0xdd: {  	(v2sf) =	vpush v12, $0xF;
	_ =	sdelay $0x9  }
0xde: {  	s2 =	sadd.s32 $0x30, s4  }
0xdf: {  	s10 =	sadd.s32 $0x40, s4;
	v63 =	vor.u32 s2, v1  }
0xe0: {  	s4 =	sadd.s32 $0x10, s10;
	[tilespmem:v8+s31+$0x0] =	vst.idx.msk vm1, v63;
	v8 =	vor.u32 s10, v1  }
0xe1: {  	s11 =	sadd.s32 $0x20, s10;
	[tilespmem:v13+s31+$0x0] =	vst.idx.msk vm2, v8;
	v8 =	vor.u32 s4, v1  }
0xe2: {  	s2 =	sadd.s32 $0x30, s10;
	[tilespmem:v56+s31+$0x0] =	vst.idx.msk vm3, v8;
	v8 =	vor.u32 s11, v1  }
0xe3: {  	[tilespmem:v59+s31+$0x0] =	vst.idx.msk vm4, v8;
	v8 =	vor.u32 s2, v1;
	s5 =	spop (v2sf)  }
0xe4: {  	s2 =	sshll.u32 s30, $0x6;
	[tilespmem:v11+s31+$0x0] =	vst.idx.msk vm5, v8;
	s12 =	sadd.s32 $0x8000000F, s5  }
0xe5: {  	[tilespmem:s2+$0x1D200] =	vst v2;
	s6 =	sand.u32 $0xF, s12  }
0xe6: {  	[tilespmem:s2+$0x1DA00] =	vst v2;
	s13 =	sshra.s32 s12, $0x1F;
	p1 =	slt.s32 s12, $0x1;
	p0 =	sne.s32 s6, $0x0  }
0xe7: {  	[tilespmem:s2+$0x1E200] =	vst v2;
	s6 =	sshrl.u32 s13, $0x1C;
	p0 =	por !p1, !p0  }
0xe8: {  	[tilespmem:s2+$0x1D210] =	vst v2;
	s4 =	sadd.s32 s6, s12;
	s6 =	simm.s32 $0x1;
	p0 =	por !p0, !p0  }
0xe9: {  	[tilespmem:s2+$0x1DA10] =	vst v2;
	s4 =	sshra.s32 s4, $0x4;
	s6 =	simm.s32 @!p0 $0x0  }
0xea: {  	[tilespmem:s2+$0x1E210] =	vst v2;
	s4 =	ssub.s32 s4, s6  }
0xeb: {  	[tilespmem:s2+$0x1D220] =	vst v2;
	p0 =	slt.s32 s4, $0x1  }
.Ltmp5:
0xec: {  	[tilespmem:s2+$0x1DA20] =	vst v2;
	(pc) =	sbr.rel @p0 .LBB2_8-.Ltmp5, $4  }
0xed: {  	[tilespmem:s2+$0x1E220] =	vst v2  }
0xee: {  	[tilespmem:s2+$0x1D230] =	vst v2  }
0xef: {  	[tilespmem:s2+$0x1DA30] =	vst v2  }
0xf0: {  	[tilespmem:s2+$0x1E230] =	vst v2  }
0xf1: {  	s6 =	simm.s32 $0x1C800  }
0xf2: {  	v8 =	vld [tilespmem:s6+$0x0];
	_ =	sdelay $0x1  }
0xf3: {  	s7 =	simm.s32 $0x0  }
0xf4: {  	v9 =	vor.u32 s7, v1  }
0xf5: {  	vm1 =	vlt.s32 v9, v7  }
0xf6: {  	v8 =	vnsel vm1, $0x0, v8;
	_ =	sdelay $0x4  }
0xf7: {  	v9 =	vld.idx.msk [tilespmem:v8+s22+$0x0], $0xffff  }
0xf8: {  	v10 =	vld.idx.msk [tilespmem:v8+s23+$0x0], $0xffff;
	_ =	sdelay $0x1  }
0xf9: {  	v11 =	vld.idx.msk [tilespmem:v8+s24+$0x0], $0xffff;
	_ =	sdelay $0x2  }
0xfa: {  	v9 =	vmul.f32 v9, v3;
	v10 =	vmul.f32 v10, v4;
	_ =	sdelay $0x1  }
0xfb: {  	v11 =	vmul.f32 v11, v5;
	v9 =	vadd.f32 v10, v9;
	_ =	sdelay $0x1  }
0xfc: {  	v9 =	vadd.f32 v11, v9  }
0xfd: {  	v10 =	vld.idx.msk [tilespmem:v8+s25+$0x0], $0xffff  }
0xfe: {  	v9 =	vadd.f32 v9, v9;
	_ =	sdelay $0x1  }
0xff: {  	v9 =	vsub.f32 v6, v9;
	_ =	sdelay $0x1  }
0x100: {  	v9 =	vadd.f32 v9, v10;
	_ =	sdelay $0x1  }
0x101: {  	v9 =	vand.u32 $0x7FFFFFFF, v9  }
0x102: {  	s7 =	simm.s32 $0x1CA00;
	v9 =	vnsel vm1, $0x7F800000, v9  }
0x103: {  	[tilespmem:s7+$0x0] =	vst v9  }
0x104: {  	v9 =	vld.idx.msk [tilespmem:v8+s1+$0x0], $0xffff;
	_ =	sdelay $0x3  }
0x105: {  	s8 =	simm.s32 $0x1CC00  }
0x106: {  	[tilespmem:s8+$0x0] =	vst v9  }
0x107: {  	v9 =	vld.idx.msk [tilespmem:v8+s20+$0x0], $0xffff;
	_ =	sdelay $0x3  }
0x108: {  	s11 =	simm.s32 $0x1CE00;
	p1 =	sne.s32 s4, $0x1  }
.Ltmp6:
0x109: {  	[tilespmem:s11+$0x0] =	vst v9;
	(pc) =	sbr.rel @!p1 .LBB2_7-.Ltmp6, $3  }
0x10a: {  	v8 =	vld.idx.msk [tilespmem:v8+s21+$0x0], $0xffff;
	_ =	sdelay $0x1  }
0x10b: {  	s9 =	simm.s32 $0x1D000;
	s10 =	sadd.s32 $0xFFFFFFFF, s4  }
0x10c: {  	s12 =	simm.s32 $0x1D010;
	s13 =	simm.s32 $0x10;
	s11 =	simm.s32 $0x1CE10  }
.LBB2_6:
0x10d: {  	s6 =	sadd.s32 $0x10, s6;
	s7 =	sadd.s32 $0x10, s7;
	s8 =	sadd.s32 $0x10, s8  }
0x10e: {  	p1 =	sne.s32 s10, $0x1;
	s10 =	sadd.s32 $0xFFFFFFFF, s10;
	[tilespmem:s9+$0x0] =	vst v8;
	s9 =	smov.u32 s12  }
0x10f: {  	v8 =	vld [tilespmem:s6+$0x0];
	_ =	sdelay $0x2  }
0x110: {  	v9 =	vor.u32 s13, v1  }
0x111: {  	vm1 =	vlt.s32 v9, v7  }
0x112: {  	v8 =	vnsel vm1, $0x0, v8;
	_ =	sdelay $0x4  }
0x113: {  	v9 =	vld.idx.msk [tilespmem:v8+s22+$0x0], $0xffff  }
0x114: {  	v10 =	vld.idx.msk [tilespmem:v8+s23+$0x0], $0xffff  }
0x115: {  	v11 =	vld.idx.msk [tilespmem:v8+s24+$0x0], $0xffff;
	_ =	sdelay $0x3  }
0x116: {  	v9 =	vmul.f32 v9, v3  }
0x117: {  	v10 =	vmul.f32 v10, v4  }
0x118: {  	v11 =	vmul.f32 v11, v5  }
0x119: {  	v9 =	vadd.f32 v10, v9  }
0x11a: {  	v10 =	vld.idx.msk [tilespmem:v8+s25+$0x0], $0xffff  }
0x11b: {  	v9 =	vadd.f32 v11, v9;
	_ =	sdelay $0x1  }
0x11c: {  	v9 =	vadd.f32 v9, v9;
	_ =	sdelay $0x1  }
0x11d: {  	v9 =	vsub.f32 v6, v9;
	_ =	sdelay $0x1  }
0x11e: {  	v9 =	vadd.f32 v9, v10;
	_ =	sdelay $0x1  }
0x11f: {  	v9 =	vand.u32 $0x7FFFFFFF, v9  }
0x120: {  	v9 =	vnsel vm1, $0x7F800000, v9  }
0x121: {  	[tilespmem:s7+$0x0] =	vst v9  }
0x122: {  	v9 =	vld.idx.msk [tilespmem:v8+s1+$0x0], $0xffff;
	_ =	sdelay $0x5  }
0x123: {  	[tilespmem:s8+$0x0] =	vst v9  }
0x124: {  	v9 =	vld.idx.msk [tilespmem:v8+s20+$0x0], $0xffff;
	_ =	sdelay $0x5  }
0x125: {  	[tilespmem:s11+$0x0] =	vst v9  }
.Ltmp7:
0x126: {  	v8 =	vld.idx.msk [tilespmem:v8+s21+$0x0], $0xffff;
	(pc) =	sbr.rel @p1 .LBB2_6-.Ltmp7, $2  }
0x127: {  	_ =	sdelay $0x2  }
0x128: {  	s13 =	sadd.s32 $0x10, s13;
	s12 =	sadd.s32 $0x10, s12;
	s11 =	sadd.s32 $0x10, s11  }
.LBB2_7:
0x129: {  	_ = 	snop  }
0x12a: {  	[tilespmem:s9+$0x0] =	vst v8  }
.LBB2_8:
0x12b: {  	p1 =	slt.u32 s5, $0x80000041  }
.Ltmp8:
0x12c: {  	_ = 	snop;
	(pc) =	sbr.rel @p1 .LBB2_15-.Ltmp8, $2  }
0x12d: {  	_ =	sdelay $0x2  }
0x12e: {  	v3 =	vimm.f32 $4.000000280e-02  }
.Ltmp9:
0x12f: {  	(pc) =	sbr.rel .LBB2_10-.Ltmp9, $2  }
0x130: {  	_ =	sdelay $0x2  }
0x131: {  	s5 =	simm.s32 $0x0;
	v4 =	vimm.f32 $0.0e+00  }
.LBB2_13:
0x132: {  	v8 =	vmpcnt.ones.xlane vm1;
	_ =	sdelay $0x1  }
0x133: {  	v6 =	vadd.s32 v6, v8  }
0x134: {  	vm1 =	vgt.s32 v6, $0x3F  }
.LBB2_14:
0x135: {  	s5 =	sadd.s32 $0x1, s5  }
0x136: {  	p1 =	sne.s32 s5, $0x28  }
.Ltmp10:
0x137: {  	_ = 	snop;
	(pc) =	sbr.rel @!p1 .LBB2_15-.Ltmp10, $2  }
0x138: {  	_ =	sdelay $0x2  }
0x139: {  	v4 =	vsel vm1, v4, v5;
	v3 =	vsel vm1, v5, v3  }
.LBB2_10:
.Ltmp11:
0x13a: {  	(pc) =	sbr.rel @p0 .LBB2_14-.Ltmp11, $3  }
0x13b: {  	_ = 	snop  }
0x13c: {  	v5 =	vadd.f32 v3, v4;
	_ =	sdelay $0x1  }
0x13d: {  	vm1 =	vmmov vm0;
	v5 =	vmul.f32 $5.000000000e-01, v5  }
0x13e: {  	s6 =	simm.s32 $0x1CA00  }
0x13f: {  	p1 =	sne.s32 s4, $0x1;
	v8 =	vld [tilespmem:s6+$0x0]  }
.Ltmp12:
0x140: {  	_ = 	snop;
	(pc) =	sbr.rel @!p1 .LBB2_13-.Ltmp12, $2  }
0x141: {  	_ =	sdelay $0x2  }
0x142: {  	v6 =	vimm.s32 $0x0;
	s7 =	simm.s32 $0x1CA10;
	s6 =	sadd.s32 $0xFFFFFFFF, s4;
	vm1 =	vle.f32 v8, v5  }
.LBB2_12:
0x143: {  	v8 =	vld [tilespmem:s7+$0x0];
	p1 =	sne.s32 s6, $0x1;
	s6 =	sadd.s32 $0xFFFFFFFF, s6;
	v9 =	vmpcnt.ones.xlane vm1  }
.Ltmp13:
0x144: {  	(pc) =	sbr.rel @p1 .LBB2_12-.Ltmp13, $2  }
0x145: {  	v6 =	vadd.s32 v6, v9;
	_ =	sdelay $0x2  }
0x146: {  	s7 =	sadd.s32 $0x10, s7;
	vm1 =	vle.f32 v8, v5  }
.Ltmp14:
0x147: {  	_ = 	snop;
	(pc) =	sbr.rel .LBB2_13-.Ltmp14, $1  }
0x148: {  	_ =	sdelay $0x3  }
.LBB2_15:
.Ltmp15:
0x149: {  	(pc) =	sbr.rel @p0 .LBB2_22-.Ltmp15, $1  }
0x14a: {  	_ =	sdelay $0x3  }
0x14b: {  	p1 =	sne.s32 s4, $0x1  }
.Ltmp16:
0x14c: {  	_ = 	snop;
	(pc) =	sbr.rel @!p1 .LBB2_17-.Ltmp16, $4  }
0x14d: {  	s5 =	simm.s32 $0x1CA00  }
0x14e: {  	s6 =	simm.s32 $0x1D000;
	v9 =	vld [tilespmem:s5+$0x0]  }
0x14f: {  	s7 =	simm.s32 $0x1CE00;
	v4 =	vmov s2;
	s2 =	simm.s32 $0x0;
	v6 =	vld [tilespmem:s6+$0x0]  }
0x150: {  	v5 =	vimm.s32 $0x0;
	s8 =	sadd.s32 $0xFFFFFFFF, s4;
	p0 =	por $0x0, $0x0;
	s5 =	simm.s32 $0x1CC00;
	v8 =	vld [tilespmem:s7+$0x0]  }
0x151: {  	_ = 	snop  }
0x152: {  	v10 =	vor.u32 s2, v1  }
0x153: {  	vm1 =	vlt.s32 v10, v7;
	vm2 =	vle.f32 v9, v3  }
0x154: {  	vm1 =	vmand vm1, vm2  }
0x155: {  	v9 =	vsel vm1, $0x1, v0  }
0x156: {  	(xrf0) =	vadd.scan.msk.s32 $0xffff, v9;
	_ =	sdelay $0x5  }
0x157: {  	v9, _, _ =	vpop (xrf0)  }
0x158: {  	v9 =	vadd.s32 v9, v5  }
0x159: {  	v9 =	vadd.s32 $0xFFFFFFFF, v9  }
0x15a: {  	vm2 =	vlt.s32 v9, $0x40  }
0x15b: {  	vm1 =	vmand vm1, vm2  }
0x15c: {  	v10 =	vld [tilespmem:s5+$0x0];
	v9 =	vadd.s32 v4, v9;
	_ =	sdelay $0x4  }
0x15d: {  	p1 =	sne.s32 s8, $0x1;
	[tilespmem:v9+s0+$0x0] =	vst.idx.msk vm1, v10  }
.Ltmp17:
0x15e: {  	[tilespmem:v9+s3+$0x0] =	vst.idx.msk vm1, v8;
	(pc) =	sbr.rel @!p1 .LBB2_19-.Ltmp17, $4  }
0x15f: {  	s4 =	simm.s32 $0x1CA10;
	[tilespmem:v9+s26+$0x0] =	vst.idx.msk vm1, v6  }
0x160: {  	s6 =	simm.s32 $0x1D010;
	v8 =	vmpcnt.ones.xlane vm1;
	v9 =	vld [tilespmem:s4+$0x0]  }
0x161: {  	s7 =	simm.s32 $0x1CE10;
	s9 =	sadd.s32 $0xFFFFFFFF, s8;
	v6 =	vld [tilespmem:s6+$0x0]  }
0x162: {  	p0 =	por $0x1, $0x1;
	s8 =	simm.s32 $0x0;
	s5 =	simm.s32 $0x1CC10;
	v5 =	vadd.s32 v5, v8;
	v8 =	vld [tilespmem:s7+$0x0]  }
.LBB2_20:
0x163: {  	p1 =	sne.s32 s9, $0x1;
	v10 =	vld [tilespmem:s5+$0x0];
	s8 =	sadd.s32 $0x10, s8  }
0x164: {  	v11 =	vor.u32 s8, v1  }
0x165: {  	vm2 =	vle.f32 v9, v3;
	vm1 =	vlt.s32 v11, v7  }
0x166: {  	vm1 =	vmand vm1, vm2  }
0x167: {  	v9 =	vsel vm1, $0x1, v0  }
0x168: {  	(xrf0) =	vadd.scan.msk.s32 $0xffff, v9;
	_ =	sdelay $0x5  }
0x169: {  	v9, _, _ =	vpop (xrf0)  }
0x16a: {  	v9 =	vadd.s32 v9, v5  }
0x16b: {  	v9 =	vadd.s32 $0xFFFFFFFF, v9  }
0x16c: {  	vm2 =	vlt.s32 v9, $0x40  }
0x16d: {  	vm1 =	vmand vm1, vm2  }
0x16e: {  	v9 =	vadd.s32 v4, v9;
	v11 =	vmpcnt.ones.xlane vm1;
	_ =	sdelay $0x1  }
0x16f: {  	v5 =	vadd.s32 v5, v11;
	_ =	sdelay $0x2  }
0x170: {  	[tilespmem:v9+s0+$0x0] =	vst.idx.msk vm1, v10  }
.Ltmp18:
0x171: {  	[tilespmem:v9+s3+$0x0] =	vst.idx.msk vm1, v8;
	(pc) =	sbr.rel @p1 .LBB2_20-.Ltmp18, $4  }
0x172: {  	s4 =	sadd.s32 $0x10, s4;
	[tilespmem:v9+s26+$0x0] =	vst.idx.msk vm1, v6  }
0x173: {  	s6 =	sadd.s32 $0x10, s6;
	v9 =	vld [tilespmem:s4+$0x0]  }
0x174: {  	s7 =	sadd.s32 $0x10, s7;
	v6 =	vld [tilespmem:s6+$0x0]  }
0x175: {  	s9 =	sadd.s32 $0xFFFFFFFF, s9;
	s5 =	sadd.s32 $0x10, s5;
	v8 =	vld [tilespmem:s7+$0x0]  }
.Ltmp19:
0x176: {  	_ = 	snop;
	(pc) =	sbr.rel .LBB2_21-.Ltmp19, $1  }
0x177: {  	_ =	sdelay $0x3  }
.LBB2_19:
.Ltmp20:
0x178: {  	(pc) =	sbr.rel .LBB2_21-.Ltmp20, $2  }
0x179: {  	_ =	sdelay $0x2  }
0x17a: {  	s8 =	simm.s32 $0x0  }
.LBB2_24:
0x17b: {  	_ =	sfence.sel $0x180000  }
0x17c: {  	[bflag:$0x0] =	sbarrier.arrive $0xFFFF  }
0x17d: {  	_ =	strace $0x90000047  }
0x17e: {  	s0 =	stileid.u32;
	[bflag:$0x2] =	sbarrier.arrive $0xFFFF  }
0x17f: {  	p0 =	sne.s32 s0, $0x0;
	s0 =	rddreg [dreg:$0x2]  }
0x180: {  	s0 =	sadd.s32 @!p0 $0x100000, s0  }
0x181: {  	[sflag:s0] =	ssyncadd.tile.s32 @!p0 $0x1;
	_ =	shalt  }
.Lfunc_end2:
_tile_overlayer_lowered:
.L_overlay_start_2:
0x182: {  	(tag) =	ssettag $0x2  }
0x183: {  	s0 =	rddreg [dreg:$0x0];
	s2 =	stileid.u32  }
0x184: {  	s1 =	rddreg [dreg:$0x1];
	p0 =	sne.s32 s2, $0x0  }
0x185: {  	s3 =	rddreg [dreg:$0x2];
	[bflag:$0x3] =	sbarrier.arrive $0xFFFF;
	s2 =	simm.s32 @!p0 $0x1C01  }
0x186: {  	[timem:s3], [sflag:s2] =	dma.local @!p0 [hbm:s0], s1  }
0x187: {  	s0 =	simm.s32 @!p0 $0x1  }
0x188: {  	_ =	swait.ge @!p0 [sflag:s0], s1  }
0x189: {  	s1 =	ssub.s32 @!p0 $0x0, s1;
	[sflag:s0] =	ssyncset.done @!p0 $0x0  }
0x18a: {  	[sflag:s0] =	ssyncadd.s32 @!p0 s1  }
0x18b: {  	[bflag:$0x3] =	sbarrier.arrive $0xFFFF  }
0x18c: {  	_ =	shalt  }

</sc_bundles>
